<compile_context>
chip_gen: v7x
topology: tpu7x:2x2x1
jax: 0.10.2.dev20260603
libtpu: 0.0.44.dev20260713+nightly
codegen_flags: <defaults>
</compile_context>

<pallas_src>
import functools

import jax
import jax.numpy as jnp
from jax import lax
from jax.experimental import pallas as pl
from jax.experimental.pallas import tpu as pltpu
from jax.experimental.pallas import tpu_sc as plsc

NODES = 100000
FEAT = 128
N_IDX = 500000
NC, NS = 2, 16
NW = NC * NS
PER_W = N_IDX // NW
CH = 125
NCH = PER_W // CH

_SCATTER_DEPTH = 16


@functools.cache
def _get_histogram():
    mesh = plsc.VectorSubcoreMesh(
        core_axis_name="c", subcore_axis_name="s", num_cores=NC, num_subcores=NS
    )
    return pl.kernel(
        _histogram_body,
        out_type=jax.ShapeDtypeStruct((NC, NODES), jnp.float32),
        mesh=mesh,
        scratch_types=[
            pltpu.VMEM((NCH, CH), jnp.int32),
            pltpu.VMEM((128,), jnp.float32),
            pltpu.VMEM_SHARED((NODES,), jnp.float32),
            pltpu.SemaphoreType.DMA,
        ],
    )


def _histogram_body(idx_hbm, zeros_hbm, out_hbm, idx_v, ones_v, hist_sh, sem):
    c = lax.axis_index("c")
    s = lax.axis_index("s")
    w = c * NS + s

    for i in range(8):
        ones_v[pl.ds(i * 16, 16)] = jnp.ones((16,), jnp.float32)

    pltpu.sync_copy(idx_hbm.at[w], idx_v)

    @pl.when(s == 0)
    def _():
        pltpu.sync_copy(zeros_hbm, hist_sh)

    plsc.subcore_barrier()

    src = ones_v.at[pl.ds(0, CH)]
    head = pltpu.async_copy(src, hist_sh.at[idx_v.at[0]], sem, add=True)
    for j0 in range(1, _SCATTER_DEPTH):
        pltpu.async_copy(src, hist_sh.at[idx_v.at[j0]], sem, add=True)

    @pl.loop(_SCATTER_DEPTH, NCH)
    def _(j):
        head.wait()
        pltpu.async_copy(src, hist_sh.at[idx_v.at[j]], sem, add=True)

    for _ in range(_SCATTER_DEPTH):
        head.wait()

    plsc.subcore_barrier()

    @pl.when(s == 0)
    def _():
        pltpu.sync_copy(hist_sh, out_hbm.at[c])


ROWS_BLK = 10000
GRID = NODES // ROWS_BLK


def _matvec_body(counts_ref, table_ref, out_ref):
    i = pl.program_id(0)
    w = jnp.sum(counts_ref[...].reshape(NC, ROWS_BLK), axis=0, keepdims=True)
    part = lax.dot_general(
        w, table_ref[...], (((1,), (0,)), ((), ())),
        preferred_element_type=jnp.float32,
    )

    @pl.when(i == 0)
    def _():
        out_ref[...] = part

    @pl.when(i != 0)
    def _():
        out_ref[...] += part

    @pl.when(i == GRID - 1)
    def _():
        out_ref[...] *= jnp.float32(1.0 / N_IDX)


_matvec = pl.pallas_call(
    _matvec_body,
    grid=(GRID,),
    in_specs=[
        pl.BlockSpec((NC, 1, 1, ROWS_BLK), lambda i: (0, i, 0, 0)),
        pl.BlockSpec((ROWS_BLK, FEAT), lambda i: (i, 0)),
    ],
    out_specs=pl.BlockSpec((1, FEAT), lambda i: (0, 0)),
    out_shape=jax.ShapeDtypeStruct((1, FEAT), jnp.float32),
)


def kernel(node_embeddings, hyperedge_indices):
    idx = hyperedge_indices.astype(jnp.int32).reshape(NW, NCH, CH)
    zeros = jnp.zeros((NODES,), jnp.float32)
    hist = _get_histogram()(idx, zeros)
    counts = hist.reshape(NC, GRID, 1, ROWS_BLK)
    out = _matvec(counts, node_embeddings)
    return out[0]

# --- scband reference (transcript-rebuilt; emitter-appended) ---
"""Pipeline reference for scband-hyperedge-aggregator-29643864277335 (READ-ONLY COPY).

The authoritative reference and input builder live on the scoring server;
editing this copy changes nothing except your own understanding.
"""

import jax, jax.numpy as jnp
import numpy as np


def setup_inputs(seed: int = 0) -> dict:
    key = jax.random.key(seed)
    k1, k2 = jax.random.split(key)
    node_embeddings = jax.random.normal(k1, (100000, 128), dtype=jnp.float32)
    hyperedge_indices = jax.random.randint(k2, (500000,), 0, 100000, dtype=jnp.int64)
    return {"node_embeddings": node_embeddings, "hyperedge_indices": hyperedge_indices}


def reference(node_embeddings, hyperedge_indices):
    # Faithful translation of HyperedgeAggregator.forward with aggregation_method='mean'.
    # node_embeddings.shape[0] (100000) != len(hyperedge_indices) (500000), so gather path taken.
    if node_embeddings.ndim == 2 and node_embeddings.shape[0] == hyperedge_indices.shape[0]:
        hyperedge_node_embeddings = node_embeddings
    else:
        hyperedge_node_embeddings = jnp.take(node_embeddings, hyperedge_indices, axis=0)
    return jnp.mean(hyperedge_node_embeddings, axis=0)

if __name__ == "__main__":
    import jax
    _d = setup_inputs()
    print(jax.jit(kernel)(*tuple(_d.values())))

</pallas_src>

<mosaic_0001>
#map = affine_map<(d0, d1) -> (0, 0, 0)>
#map1 = affine_map<(d0, d1) -> (0)>
#map2 = affine_map<(d0, d1) -> (0, 0)>
module attributes {stable_mosaic.version = 14 : i64} {
  func.func @_histogram_body(%arg0: i32, %arg1: i32, %arg2: memref<32x125x125xi32, #tpu.memory_space<hbm>>, %arg3: memref<100000xf32, #tpu.memory_space<hbm>>, %arg4: memref<2x100000xf32, #tpu.memory_space<hbm>>, %arg5: memref<125x125xi32, #tpu.memory_space<vmem>>, %arg6: memref<128xf32, #tpu.memory_space<vmem>>, %arg7: memref<100000xf32, #tpu.memory_space<vmem_shared>>, %arg8: memref<!tpu.dma_semaphore, #tpu.memory_space<semaphore_mem>>) attributes {dimension_semantics = [#tpu.dimension_semantics<core_parallel>, #tpu.dimension_semantics<subcore_parallel>], iteration_bounds = array<i64: 2, 16>, scalar_prefetch = 0 : i64, scratch_operands = 4 : i64, tpu.core_type = #tpu.core_type<sc_vector_subcore>, window_params = [{transform_indices = #map}, {transform_indices = #map1}, {transform_indices = #map2}]} {
    %mul3A = arith.constant 16 : i32
    %mul3A_0 = arith.muli %arg0, %mul3A : i32
    %add3A = arith.addi %mul3A_0, %arg1 : i32
    %broadcast_in_dim3A = arith.constant 1.000000e+00 : f32
    %broadcast_in_dim3A_1 = vector.broadcast %broadcast_in_dim3A : f32 to vector<16xf32>
    %swap3A = arith.constant 0 : index
    %swap3A_2 = tpu.vector_load %arg6[%swap3A] {strides = array<i32>} : memref<128xf32, #tpu.memory_space<vmem>>, vector<16xf32>,
    %swap3A_3 = vector.shape_cast %swap3A_2 : vector<16xf32> to vector<16xf32>
    %swap3A_4 = vector.shape_cast %broadcast_in_dim3A_1 : vector<16xf32> to vector<16xf32>
    tpu.vector_store %arg6[%swap3A], %swap3A_4 {strides = array<i32>} : memref<128xf32, #tpu.memory_space<vmem>>, vector<16xf32>,
    %broadcast_in_dim3A_5 = arith.constant 1.000000e+00 : f32
    %broadcast_in_dim3A_6 = vector.broadcast %broadcast_in_dim3A_5 : f32 to vector<16xf32>
    %swap3A_7 = arith.constant 16 : index
    %swap3A_8 = tpu.vector_load %arg6[%swap3A_7] {strides = array<i32>} : memref<128xf32, #tpu.memory_space<vmem>>, vector<16xf32>,
    %swap3A_9 = vector.shape_cast %swap3A_8 : vector<16xf32> to vector<16xf32>
    %swap3A_10 = vector.shape_cast %broadcast_in_dim3A_6 : vector<16xf32> to vector<16xf32>
    tpu.vector_store %arg6[%swap3A_7], %swap3A_10 {strides = array<i32>} : memref<128xf32, #tpu.memory_space<vmem>>, vector<16xf32>,
    %broadcast_in_dim3A_11 = arith.constant 1.000000e+00 : f32
    %broadcast_in_dim3A_12 = vector.broadcast %broadcast_in_dim3A_11 : f32 to vector<16xf32>
    %swap3A_13 = arith.constant 32 : index
    %swap3A_14 = tpu.vector_load %arg6[%swap3A_13] {strides = array<i32>} : memref<128xf32, #tpu.memory_space<vmem>>, vector<16xf32>,
    %swap3A_15 = vector.shape_cast %swap3A_14 : vector<16xf32> to vector<16xf32>
    %swap3A_16 = vector.shape_cast %broadcast_in_dim3A_12 : vector<16xf32> to vector<16xf32>
    tpu.vector_store %arg6[%swap3A_13], %swap3A_16 {strides = array<i32>} : memref<128xf32, #tpu.memory_space<vmem>>, vector<16xf32>,
    %broadcast_in_dim3A_17 = arith.constant 1.000000e+00 : f32
    %broadcast_in_dim3A_18 = vector.broadcast %broadcast_in_dim3A_17 : f32 to vector<16xf32>
    %swap3A_19 = arith.constant 48 : index
    %swap3A_20 = tpu.vector_load %arg6[%swap3A_19] {strides = array<i32>} : memref<128xf32, #tpu.memory_space<vmem>>, vector<16xf32>,
    %swap3A_21 = vector.shape_cast %swap3A_20 : vector<16xf32> to vector<16xf32>
    %swap3A_22 = vector.shape_cast %broadcast_in_dim3A_18 : vector<16xf32> to vector<16xf32>
    tpu.vector_store %arg6[%swap3A_19], %swap3A_22 {strides = array<i32>} : memref<128xf32, #tpu.memory_space<vmem>>, vector<16xf32>,
    %broadcast_in_dim3A_23 = arith.constant 1.000000e+00 : f32
    %broadcast_in_dim3A_24 = vector.broadcast %broadcast_in_dim3A_23 : f32 to vector<16xf32>
    %swap3A_25 = arith.constant 64 : index
    %swap3A_26 = tpu.vector_load %arg6[%swap3A_25] {strides = array<i32>} : memref<128xf32, #tpu.memory_space<vmem>>, vector<16xf32>,
    %swap3A_27 = vector.shape_cast %swap3A_26 : vector<16xf32> to vector<16xf32>
    %swap3A_28 = vector.shape_cast %broadcast_in_dim3A_24 : vector<16xf32> to vector<16xf32>
    tpu.vector_store %arg6[%swap3A_25], %swap3A_28 {strides = array<i32>} : memref<128xf32, #tpu.memory_space<vmem>>, vector<16xf32>,
    %broadcast_in_dim3A_29 = arith.constant 1.000000e+00 : f32
    %broadcast_in_dim3A_30 = vector.broadcast %broadcast_in_dim3A_29 : f32 to vector<16xf32>
    %swap3A_31 = arith.constant 80 : index
    %swap3A_32 = tpu.vector_load %arg6[%swap3A_31] {strides = array<i32>} : memref<128xf32, #tpu.memory_space<vmem>>, vector<16xf32>,
    %swap3A_33 = vector.shape_cast %swap3A_32 : vector<16xf32> to vector<16xf32>
    %swap3A_34 = vector.shape_cast %broadcast_in_dim3A_30 : vector<16xf32> to vector<16xf32>
    tpu.vector_store %arg6[%swap3A_31], %swap3A_34 {strides = array<i32>} : memref<128xf32, #tpu.memory_space<vmem>>, vector<16xf32>,
    %broadcast_in_dim3A_35 = arith.constant 1.000000e+00 : f32
    %broadcast_in_dim3A_36 = vector.broadcast %broadcast_in_dim3A_35 : f32 to vector<16xf32>
    %swap3A_37 = arith.constant 96 : index
    %swap3A_38 = tpu.vector_load %arg6[%swap3A_37] {strides = array<i32>} : memref<128xf32, #tpu.memory_space<vmem>>, vector<16xf32>,
    %swap3A_39 = vector.shape_cast %swap3A_38 : vector<16xf32> to vector<16xf32>
    %swap3A_40 = vector.shape_cast %broadcast_in_dim3A_36 : vector<16xf32> to vector<16xf32>
    tpu.vector_store %arg6[%swap3A_37], %swap3A_40 {strides = array<i32>} : memref<128xf32, #tpu.memory_space<vmem>>, vector<16xf32>,
    %broadcast_in_dim3A_41 = arith.constant 1.000000e+00 : f32
    %broadcast_in_dim3A_42 = vector.broadcast %broadcast_in_dim3A_41 : f32 to vector<16xf32>
    %swap3A_43 = arith.constant 112 : index
    %swap3A_44 = tpu.vector_load %arg6[%swap3A_43] {strides = array<i32>} : memref<128xf32, #tpu.memory_space<vmem>>, vector<16xf32>,
    %swap3A_45 = vector.shape_cast %swap3A_44 : vector<16xf32> to vector<16xf32>
    %swap3A_46 = vector.shape_cast %broadcast_in_dim3A_42 : vector<16xf32> to vector<16xf32>
    tpu.vector_store %arg6[%swap3A_43], %swap3A_46 {strides = array<i32>} : memref<128xf32, #tpu.memory_space<vmem>>, vector<16xf32>,
    "tpu.region"() ({
      %run_scoped3A = tpu.sem_alloc : memref<!tpu.dma_semaphore, #tpu.memory_space<semaphore_mem>>
      %dma_start3A_314 = arith.constant 0 : i32
      %dma_start3A_315 = arith.constant 0 : i32
      %dma_start3A_316 = tpu.memref_slice %arg2[%add3A, %dma_start3A_314, %dma_start3A_315] : memref<32x125x125xi32, #tpu.memory_space<hbm>> -> memref<1x125x125xi32, #tpu.memory_space<hbm>>
      %dma_start3A_317 = tpu.memref_squeeze %dma_start3A_316 : memref<1x125x125xi32, #tpu.memory_space<hbm>> -> memref<125x125xi32, #tpu.memory_space<hbm>>
      %dma_start3A_318 = arith.constant 0 : i32
      %dma_start3A_319 = arith.constant 0 : i32
      %dma_start3A_320 = tpu.memref_slice %arg2[%add3A, %dma_start3A_318, %dma_start3A_319] : memref<32x125x125xi32, #tpu.memory_space<hbm>> -> memref<1x125x125xi32, #tpu.memory_space<hbm>>
      %dma_start3A_321 = tpu.memref_squeeze %dma_start3A_320 : memref<1x125x125xi32, #tpu.memory_space<hbm>> -> memref<125x125xi32, #tpu.memory_space<hbm>>
      tpu.enqueue_dma source(%dma_start3A_321 : memref<125x125xi32, #tpu.memory_space<hbm>>) target(%arg5 : memref<125x125xi32, #tpu.memory_space<vmem>>) target_semaphore(%run_scoped3A : memref<!tpu.dma_semaphore, #tpu.memory_space<semaphore_mem>>)
      %dma_wait3A_322 = arith.constant 0 : i32
      %dma_wait3A_323 = arith.constant 0 : i32
      %dma_wait3A_324 = tpu.memref_slice %arg2[%add3A, %dma_wait3A_322, %dma_wait3A_323] : memref<32x125x125xi32, #tpu.memory_space<hbm>> -> memref<1x125x125xi32, #tpu.memory_space<hbm>>
      %dma_wait3A_325 = tpu.memref_squeeze %dma_wait3A_324 : memref<1x125x125xi32, #tpu.memory_space<hbm>> -> memref<125x125xi32, #tpu.memory_space<hbm>>
      %dma_wait3A_326 = arith.constant 0 : i32
      %dma_wait3A_327 = arith.constant 0 : i32
      %dma_wait3A_328 = tpu.memref_slice %arg2[%add3A, %dma_wait3A_326, %dma_wait3A_327] : memref<32x125x125xi32, #tpu.memory_space<hbm>> -> memref<1x125x125xi32, #tpu.memory_space<hbm>>
      %dma_wait3A_329 = tpu.memref_squeeze %dma_wait3A_328 : memref<1x125x125xi32, #tpu.memory_space<hbm>> -> memref<125x125xi32, #tpu.memory_space<hbm>>
      tpu.wait_dma2 semaphore(%run_scoped3A : memref<!tpu.dma_semaphore, #tpu.memory_space<semaphore_mem>>) src(%dma_wait3A_329 : memref<125x125xi32, #tpu.memory_space<hbm>>) dst(%arg5 : memref<125x125xi32, #tpu.memory_space<vmem>>)
      tpu.yield
    }) : () -> ()
    %eq3A = arith.constant 0 : i32
    %eq3A_47 = arith.cmpi eq, %arg1, %eq3A : i32
    %convert_element_type3A = arith.extui %eq3A_47 : i1 to i32
    %cond3A = arith.constant 0 : i32
    %cond3A_48 = arith.cmpi ne, %convert_element_type3A, %cond3A : i32
    scf.if %cond3A_48 {
      "tpu.region"() ({
        %run_scoped3A = tpu.sem_alloc : memref<!tpu.dma_semaphore, #tpu.memory_space<semaphore_mem>>
        tpu.enqueue_dma source(%arg3 : memref<100000xf32, #tpu.memory_space<hbm>>) target(%arg7 : memref<100000xf32, #tpu.memory_space<vmem_shared>>) target_semaphore(%run_scoped3A : memref<!tpu.dma_semaphore, #tpu.memory_space<semaphore_mem>>)
        tpu.wait_dma2 semaphore(%run_scoped3A : memref<!tpu.dma_semaphore, #tpu.memory_space<semaphore_mem>>) src(%arg3 : memref<100000xf32, #tpu.memory_space<hbm>>) dst(%arg7 : memref<100000xf32, #tpu.memory_space<vmem_shared>>)
        tpu.yield
      }) : () -> ()
    } else {
    }
    %barrier3A = arith.constant 0 : index
    tpu.barrier barrier_id(%barrier3A)
    %dma_start3A = arith.constant 0 : i32
    %dma_start3A_49 = arith.constant 0 : i32
    %dma_start3A_50 = tpu.memref_slice %arg6[%dma_start3A_49] : memref<128xf32, #tpu.memory_space<vmem>> -> memref<125xf32, #tpu.memory_space<vmem>>
    %dma_start3A_51 = arith.constant 0 : i32
    %dma_start3A_52 = tpu.memref_slice %arg5[%dma_start3A, %dma_start3A_51] : memref<125x125xi32, #tpu.memory_space<vmem>> -> memref<1x125xi32, #tpu.memory_space<vmem>>
    %dma_start3A_53 = tpu.memref_squeeze %dma_start3A_52 : memref<1x125xi32, #tpu.memory_space<vmem>> -> memref<125xi32, #tpu.memory_space<vmem>>
    %dma_start3A_54 = arith.constant 0 : i32
    %dma_start3A_55 = tpu.memref_slice %arg7[%dma_start3A_54] : memref<100000xf32, #tpu.memory_space<vmem_shared>> -> memref<100000xf32, #tpu.memory_space<vmem_shared>>
    tpu.enqueue_indirect_dma source(%dma_start3A_50 : memref<125xf32, #tpu.memory_space<vmem>>) target(%dma_start3A_55 : memref<100000xf32, #tpu.memory_space<vmem_shared>>) offsets(%dma_start3A_53 : memref<125xi32, #tpu.memory_space<vmem>>) semaphore(%arg8 : memref<!tpu.dma_semaphore, #tpu.memory_space<semaphore_mem>>) {add = true}
    %dma_start3A_56 = arith.constant 1 : i32
    %dma_start3A_57 = arith.constant 0 : i32
    %dma_start3A_58 = tpu.memref_slice %arg6[%dma_start3A_57] : memref<128xf32, #tpu.memory_space<vmem>> -> memref<125xf32, #tpu.memory_space<vmem>>
    %dma_start3A_59 = arith.constant 0 : i32
    %dma_start3A_60 = tpu.memref_slice %arg5[%dma_start3A_56, %dma_start3A_59] : memref<125x125xi32, #tpu.memory_space<vmem>> -> memref<1x125xi32, #tpu.memory_space<vmem>>
    %dma_start3A_61 = tpu.memref_squeeze %dma_start3A_60 : memref<1x125xi32, #tpu.memory_space<vmem>> -> memref<125xi32, #tpu.memory_space<vmem>>
    %dma_start3A_62 = arith.constant 0 : i32
    %dma_start3A_63 = tpu.memref_slice %arg7[%dma_start3A_62] : memref<100000xf32, #tpu.memory_space<vmem_shared>> -> memref<100000xf32, #tpu.memory_space<vmem_shared>>
    tpu.enqueue_indirect_dma source(%dma_start3A_58 : memref<125xf32, #tpu.memory_space<vmem>>) target(%dma_start3A_63 : memref<100000xf32, #tpu.memory_space<vmem_shared>>) offsets(%dma_start3A_61 : memref<125xi32, #tpu.memory_space<vmem>>) semaphore(%arg8 : memref<!tpu.dma_semaphore, #tpu.memory_space<semaphore_mem>>) {add = true}
    %dma_start3A_64 = arith.constant 2 : i32
    %dma_start3A_65 = arith.constant 0 : i32
    %dma_start3A_66 = tpu.memref_slice %arg6[%dma_start3A_65] : memref<128xf32, #tpu.memory_space<vmem>> -> memref<125xf32, #tpu.memory_space<vmem>>
    %dma_start3A_67 = arith.constant 0 : i32
    %dma_start3A_68 = tpu.memref_slice %arg5[%dma_start3A_64, %dma_start3A_67] : memref<125x125xi32, #tpu.memory_space<vmem>> -> memref<1x125xi32, #tpu.memory_space<vmem>>
    %dma_start3A_69 = tpu.memref_squeeze %dma_start3A_68 : memref<1x125xi32, #tpu.memory_space<vmem>> -> memref<125xi32, #tpu.memory_space<vmem>>
    %dma_start3A_70 = arith.constant 0 : i32
    %dma_start3A_71 = tpu.memref_slice %arg7[%dma_start3A_70] : memref<100000xf32, #tpu.memory_space<vmem_shared>> -> memref<100000xf32, #tpu.memory_space<vmem_shared>>
    tpu.enqueue_indirect_dma source(%dma_start3A_66 : memref<125xf32, #tpu.memory_space<vmem>>) target(%dma_start3A_71 : memref<100000xf32, #tpu.memory_space<vmem_shared>>) offsets(%dma_start3A_69 : memref<125xi32, #tpu.memory_space<vmem>>) semaphore(%arg8 : memref<!tpu.dma_semaphore, #tpu.memory_space<semaphore_mem>>) {add = true}
    %dma_start3A_72 = arith.constant 3 : i32
    %dma_start3A_73 = arith.constant 0 : i32
    %dma_start3A_74 = tpu.memref_slice %arg6[%dma_start3A_73] : memref<128xf32, #tpu.memory_space<vmem>> -> memref<125xf32, #tpu.memory_space<vmem>>
    %dma_start3A_75 = arith.constant 0 : i32
    %dma_start3A_76 = tpu.memref_slice %arg5[%dma_start3A_72, %dma_start3A_75] : memref<125x125xi32, #tpu.memory_space<vmem>> -> memref<1x125xi32, #tpu.memory_space<vmem>>
    %dma_start3A_77 = tpu.memref_squeeze %dma_start3A_76 : memref<1x125xi32, #tpu.memory_space<vmem>> -> memref<125xi32, #tpu.memory_space<vmem>>
    %dma_start3A_78 = arith.constant 0 : i32
    %dma_start3A_79 = tpu.memref_slice %arg7[%dma_start3A_78] : memref<100000xf32, #tpu.memory_space<vmem_shared>> -> memref<100000xf32, #tpu.memory_space<vmem_shared>>
    tpu.enqueue_indirect_dma source(%dma_start3A_74 : memref<125xf32, #tpu.memory_space<vmem>>) target(%dma_start3A_79 : memref<100000xf32, #tpu.memory_space<vmem_shared>>) offsets(%dma_start3A_77 : memref<125xi32, #tpu.memory_space<vmem>>) semaphore(%arg8 : memref<!tpu.dma_semaphore, #tpu.memory_space<semaphore_mem>>) {add = true}
    %dma_start3A_80 = arith.constant 4 : i32
    %dma_start3A_81 = arith.constant 0 : i32
    %dma_start3A_82 = tpu.memref_slice %arg6[%dma_start3A_81] : memref<128xf32, #tpu.memory_space<vmem>> -> memref<125xf32, #tpu.memory_space<vmem>>
    %dma_start3A_83 = arith.constant 0 : i32
    %dma_start3A_84 = tpu.memref_slice %arg5[%dma_start3A_80, %dma_start3A_83] : memref<125x125xi32, #tpu.memory_space<vmem>> -> memref<1x125xi32, #tpu.memory_space<vmem>>
    %dma_start3A_85 = tpu.memref_squeeze %dma_start3A_84 : memref<1x125xi32, #tpu.memory_space<vmem>> -> memref<125xi32, #tpu.memory_space<vmem>>
    %dma_start3A_86 = arith.constant 0 : i32
    %dma_start3A_87 = tpu.memref_slice %arg7[%dma_start3A_86] : memref<100000xf32, #tpu.memory_space<vmem_shared>> -> memref<100000xf32, #tpu.memory_space<vmem_shared>>
    tpu.enqueue_indirect_dma source(%dma_start3A_82 : memref<125xf32, #tpu.memory_space<vmem>>) target(%dma_start3A_87 : memref<100000xf32, #tpu.memory_space<vmem_shared>>) offsets(%dma_start3A_85 : memref<125xi32, #tpu.memory_space<vmem>>) semaphore(%arg8 : memref<!tpu.dma_semaphore, #tpu.memory_space<semaphore_mem>>) {add = true}
    %dma_start3A_88 = arith.constant 5 : i32
    %dma_start3A_89 = arith.constant 0 : i32
    %dma_start3A_90 = tpu.memref_slice %arg6[%dma_start3A_89] : memref<128xf32, #tpu.memory_space<vmem>> -> memref<125xf32, #tpu.memory_space<vmem>>
    %dma_start3A_91 = arith.constant 0 : i32
    %dma_start3A_92 = tpu.memref_slice %arg5[%dma_start3A_88, %dma_start3A_91] : memref<125x125xi32, #tpu.memory_space<vmem>> -> memref<1x125xi32, #tpu.memory_space<vmem>>
    %dma_start3A_93 = tpu.memref_squeeze %dma_start3A_92 : memref<1x125xi32, #tpu.memory_space<vmem>> -> memref<125xi32, #tpu.memory_space<vmem>>
    %dma_start3A_94 = arith.constant 0 : i32
    %dma_start3A_95 = tpu.memref_slice %arg7[%dma_start3A_94] : memref<100000xf32, #tpu.memory_space<vmem_shared>> -> memref<100000xf32, #tpu.memory_space<vmem_shared>>
    tpu.enqueue_indirect_dma source(%dma_start3A_90 : memref<125xf32, #tpu.memory_space<vmem>>) target(%dma_start3A_95 : memref<100000xf32, #tpu.memory_space<vmem_shared>>) offsets(%dma_start3A_93 : memref<125xi32, #tpu.memory_space<vmem>>) semaphore(%arg8 : memref<!tpu.dma_semaphore, #tpu.memory_space<semaphore_mem>>) {add = true}
    %dma_start3A_96 = arith.constant 6 : i32
    %dma_start3A_97 = arith.constant 0 : i32
    %dma_start3A_98 = tpu.memref_slice %arg6[%dma_start3A_97] : memref<128xf32, #tpu.memory_space<vmem>> -> memref<125xf32, #tpu.memory_space<vmem>>
    %dma_start3A_99 = arith.constant 0 : i32
    %dma_start3A_100 = tpu.memref_slice %arg5[%dma_start3A_96, %dma_start3A_99] : memref<125x125xi32, #tpu.memory_space<vmem>> -> memref<1x125xi32, #tpu.memory_space<vmem>>
    %dma_start3A_101 = tpu.memref_squeeze %dma_start3A_100 : memref<1x125xi32, #tpu.memory_space<vmem>> -> memref<125xi32, #tpu.memory_space<vmem>>
    %dma_start3A_102 = arith.constant 0 : i32
    %dma_start3A_103 = tpu.memref_slice %arg7[%dma_start3A_102] : memref<100000xf32, #tpu.memory_space<vmem_shared>> -> memref<100000xf32, #tpu.memory_space<vmem_shared>>
    tpu.enqueue_indirect_dma source(%dma_start3A_98 : memref<125xf32, #tpu.memory_space<vmem>>) target(%dma_start3A_103 : memref<100000xf32, #tpu.memory_space<vmem_shared>>) offsets(%dma_start3A_101 : memref<125xi32, #tpu.memory_space<vmem>>) semaphore(%arg8 : memref<!tpu.dma_semaphore, #tpu.memory_space<semaphore_mem>>) {add = true}
    %dma_start3A_104 = arith.constant 7 : i32
    %dma_start3A_105 = arith.constant 0 : i32
    %dma_start3A_106 = tpu.memref_slice %arg6[%dma_start3A_105] : memref<128xf32, #tpu.memory_space<vmem>> -> memref<125xf32, #tpu.memory_space<vmem>>
    %dma_start3A_107 = arith.constant 0 : i32
    %dma_start3A_108 = tpu.memref_slice %arg5[%dma_start3A_104, %dma_start3A_107] : memref<125x125xi32, #tpu.memory_space<vmem>> -> memref<1x125xi32, #tpu.memory_space<vmem>>
    %dma_start3A_109 = tpu.memref_squeeze %dma_start3A_108 : memref<1x125xi32, #tpu.memory_space<vmem>> -> memref<125xi32, #tpu.memory_space<vmem>>
    %dma_start3A_110 = arith.constant 0 : i32
    %dma_start3A_111 = tpu.memref_slice %arg7[%dma_start3A_110] : memref<100000xf32, #tpu.memory_space<vmem_shared>> -> memref<100000xf32, #tpu.memory_space<vmem_shared>>
    tpu.enqueue_indirect_dma source(%dma_start3A_106 : memref<125xf32, #tpu.memory_space<vmem>>) target(%dma_start3A_111 : memref<100000xf32, #tpu.memory_space<vmem_shared>>) offsets(%dma_start3A_109 : memref<125xi32, #tpu.memory_space<vmem>>) semaphore(%arg8 : memref<!tpu.dma_semaphore, #tpu.memory_space<semaphore_mem>>) {add = true}
    %dma_start3A_112 = arith.constant 8 : i32
    %dma_start3A_113 = arith.constant 0 : i32
    %dma_start3A_114 = tpu.memref_slice %arg6[%dma_start3A_113] : memref<128xf32, #tpu.memory_space<vmem>> -> memref<125xf32, #tpu.memory_space<vmem>>
    %dma_start3A_115 = arith.constant 0 : i32
    %dma_start3A_116 = tpu.memref_slice %arg5[%dma_start3A_112, %dma_start3A_115] : memref<125x125xi32, #tpu.memory_space<vmem>> -> memref<1x125xi32, #tpu.memory_space<vmem>>
    %dma_start3A_117 = tpu.memref_squeeze %dma_start3A_116 : memref<1x125xi32, #tpu.memory_space<vmem>> -> memref<125xi32, #tpu.memory_space<vmem>>
    %dma_start3A_118 = arith.constant 0 : i32
    %dma_start3A_119 = tpu.memref_slice %arg7[%dma_start3A_118] : memref<100000xf32, #tpu.memory_space<vmem_shared>> -> memref<100000xf32, #tpu.memory_space<vmem_shared>>
    tpu.enqueue_indirect_dma source(%dma_start3A_114 : memref<125xf32, #tpu.memory_space<vmem>>) target(%dma_start3A_119 : memref<100000xf32, #tpu.memory_space<vmem_shared>>) offsets(%dma_start3A_117 : memref<125xi32, #tpu.memory_space<vmem>>) semaphore(%arg8 : memref<!tpu.dma_semaphore, #tpu.memory_space<semaphore_mem>>) {add = true}
    %dma_start3A_120 = arith.constant 9 : i32
    %dma_start3A_121 = arith.constant 0 : i32
    %dma_start3A_122 = tpu.memref_slice %arg6[%dma_start3A_121] : memref<128xf32, #tpu.memory_space<vmem>> -> memref<125xf32, #tpu.memory_space<vmem>>
    %dma_start3A_123 = arith.constant 0 : i32
    %dma_start3A_124 = tpu.memref_slice %arg5[%dma_start3A_120, %dma_start3A_123] : memref<125x125xi32, #tpu.memory_space<vmem>> -> memref<1x125xi32, #tpu.memory_space<vmem>>
    %dma_start3A_125 = tpu.memref_squeeze %dma_start3A_124 : memref<1x125xi32, #tpu.memory_space<vmem>> -> memref<125xi32, #tpu.memory_space<vmem>>
    %dma_start3A_126 = arith.constant 0 : i32
    %dma_start3A_127 = tpu.memref_slice %arg7[%dma_start3A_126] : memref<100000xf32, #tpu.memory_space<vmem_shared>> -> memref<100000xf32, #tpu.memory_space<vmem_shared>>
    tpu.enqueue_indirect_dma source(%dma_start3A_122 : memref<125xf32, #tpu.memory_space<vmem>>) target(%dma_start3A_127 : memref<100000xf32, #tpu.memory_space<vmem_shared>>) offsets(%dma_start3A_125 : memref<125xi32, #tpu.memory_space<vmem>>) semaphore(%arg8 : memref<!tpu.dma_semaphore, #tpu.memory_space<semaphore_mem>>) {add = true}
    %dma_start3A_128 = arith.constant 10 : i32
    %dma_start3A_129 = arith.constant 0 : i32
    %dma_start3A_130 = tpu.memref_slice %arg6[%dma_start3A_129] : memref<128xf32, #tpu.memory_space<vmem>> -> memref<125xf32, #tpu.memory_space<vmem>>
    %dma_start3A_131 = arith.constant 0 : i32
    %dma_start3A_132 = tpu.memref_slice %arg5[%dma_start3A_128, %dma_start3A_131] : memref<125x125xi32, #tpu.memory_space<vmem>> -> memref<1x125xi32, #tpu.memory_space<vmem>>
    %dma_start3A_133 = tpu.memref_squeeze %dma_start3A_132 : memref<1x125xi32, #tpu.memory_space<vmem>> -> memref<125xi32, #tpu.memory_space<vmem>>
    %dma_start3A_134 = arith.constant 0 : i32
    %dma_start3A_135 = tpu.memref_slice %arg7[%dma_start3A_134] : memref<100000xf32, #tpu.memory_space<vmem_shared>> -> memref<100000xf32, #tpu.memory_space<vmem_shared>>
    tpu.enqueue_indirect_dma source(%dma_start3A_130 : memref<125xf32, #tpu.memory_space<vmem>>) target(%dma_start3A_135 : memref<100000xf32, #tpu.memory_space<vmem_shared>>) offsets(%dma_start3A_133 : memref<125xi32, #tpu.memory_space<vmem>>) semaphore(%arg8 : memref<!tpu.dma_semaphore, #tpu.memory_space<semaphore_mem>>) {add = true}
    %dma_start3A_136 = arith.constant 11 : i32
    %dma_start3A_137 = arith.constant 0 : i32
    %dma_start3A_138 = tpu.memref_slice %arg6[%dma_start3A_137] : memref<128xf32, #tpu.memory_space<vmem>> -> memref<125xf32, #tpu.memory_space<vmem>>
    %dma_start3A_139 = arith.constant 0 : i32
    %dma_start3A_140 = tpu.memref_slice %arg5[%dma_start3A_136, %dma_start3A_139] : memref<125x125xi32, #tpu.memory_space<vmem>> -> memref<1x125xi32, #tpu.memory_space<vmem>>
    %dma_start3A_141 = tpu.memref_squeeze %dma_start3A_140 : memref<1x125xi32, #tpu.memory_space<vmem>> -> memref<125xi32, #tpu.memory_space<vmem>>
    %dma_start3A_142 = arith.constant 0 : i32
    %dma_start3A_143 = tpu.memref_slice %arg7[%dma_start3A_142] : memref<100000xf32, #tpu.memory_space<vmem_shared>> -> memref<100000xf32, #tpu.memory_space<vmem_shared>>
    tpu.enqueue_indirect_dma source(%dma_start3A_138 : memref<125xf32, #tpu.memory_space<vmem>>) target(%dma_start3A_143 : memref<100000xf32, #tpu.memory_space<vmem_shared>>) offsets(%dma_start3A_141 : memref<125xi32, #tpu.memory_space<vmem>>) semaphore(%arg8 : memref<!tpu.dma_semaphore, #tpu.memory_space<semaphore_mem>>) {add = true}
    %dma_start3A_144 = arith.constant 12 : i32
    %dma_start3A_145 = arith.constant 0 : i32
    %dma_start3A_146 = tpu.memref_slice %arg6[%dma_start3A_145] : memref<128xf32, #tpu.memory_space<vmem>> -> memref<125xf32, #tpu.memory_space<vmem>>
    %dma_start3A_147 = arith.constant 0 : i32
    %dma_start3A_148 = tpu.memref_slice %arg5[%dma_start3A_144, %dma_start3A_147] : memref<125x125xi32, #tpu.memory_space<vmem>> -> memref<1x125xi32, #tpu.memory_space<vmem>>
    %dma_start3A_149 = tpu.memref_squeeze %dma_start3A_148 : memref<1x125xi32, #tpu.memory_space<vmem>> -> memref<125xi32, #tpu.memory_space<vmem>>
    %dma_start3A_150 = arith.constant 0 : i32
    %dma_start3A_151 = tpu.memref_slice %arg7[%dma_start3A_150] : memref<100000xf32, #tpu.memory_space<vmem_shared>> -> memref<100000xf32, #tpu.memory_space<vmem_shared>>
    tpu.enqueue_indirect_dma source(%dma_start3A_146 : memref<125xf32, #tpu.memory_space<vmem>>) target(%dma_start3A_151 : memref<100000xf32, #tpu.memory_space<vmem_shared>>) offsets(%dma_start3A_149 : memref<125xi32, #tpu.memory_space<vmem>>) semaphore(%arg8 : memref<!tpu.dma_semaphore, #tpu.memory_space<semaphore_mem>>) {add = true}
    %dma_start3A_152 = arith.constant 13 : i32
    %dma_start3A_153 = arith.constant 0 : i32
    %dma_start3A_154 = tpu.memref_slice %arg6[%dma_start3A_153] : memref<128xf32, #tpu.memory_space<vmem>> -> memref<125xf32, #tpu.memory_space<vmem>>
    %dma_start3A_155 = arith.constant 0 : i32
    %dma_start3A_156 = tpu.memref_slice %arg5[%dma_start3A_152, %dma_start3A_155] : memref<125x125xi32, #tpu.memory_space<vmem>> -> memref<1x125xi32, #tpu.memory_space<vmem>>
    %dma_start3A_157 = tpu.memref_squeeze %dma_start3A_156 : memref<1x125xi32, #tpu.memory_space<vmem>> -> memref<125xi32, #tpu.memory_space<vmem>>
    %dma_start3A_158 = arith.constant 0 : i32
    %dma_start3A_159 = tpu.memref_slice %arg7[%dma_start3A_158] : memref<100000xf32, #tpu.memory_space<vmem_shared>> -> memref<100000xf32, #tpu.memory_space<vmem_shared>>
    tpu.enqueue_indirect_dma source(%dma_start3A_154 : memref<125xf32, #tpu.memory_space<vmem>>) target(%dma_start3A_159 : memref<100000xf32, #tpu.memory_space<vmem_shared>>) offsets(%dma_start3A_157 : memref<125xi32, #tpu.memory_space<vmem>>) semaphore(%arg8 : memref<!tpu.dma_semaphore, #tpu.memory_space<semaphore_mem>>) {add = true}
    %dma_start3A_160 = arith.constant 14 : i32
    %dma_start3A_161 = arith.constant 0 : i32
    %dma_start3A_162 = tpu.memref_slice %arg6[%dma_start3A_161] : memref<128xf32, #tpu.memory_space<vmem>> -> memref<125xf32, #tpu.memory_space<vmem>>
    %dma_start3A_163 = arith.constant 0 : i32
    %dma_start3A_164 = tpu.memref_slice %arg5[%dma_start3A_160, %dma_start3A_163] : memref<125x125xi32, #tpu.memory_space<vmem>> -> memref<1x125xi32, #tpu.memory_space<vmem>>
    %dma_start3A_165 = tpu.memref_squeeze %dma_start3A_164 : memref<1x125xi32, #tpu.memory_space<vmem>> -> memref<125xi32, #tpu.memory_space<vmem>>
    %dma_start3A_166 = arith.constant 0 : i32
    %dma_start3A_167 = tpu.memref_slice %arg7[%dma_start3A_166] : memref<100000xf32, #tpu.memory_space<vmem_shared>> -> memref<100000xf32, #tpu.memory_space<vmem_shared>>
    tpu.enqueue_indirect_dma source(%dma_start3A_162 : memref<125xf32, #tpu.memory_space<vmem>>) target(%dma_start3A_167 : memref<100000xf32, #tpu.memory_space<vmem_shared>>) offsets(%dma_start3A_165 : memref<125xi32, #tpu.memory_space<vmem>>) semaphore(%arg8 : memref<!tpu.dma_semaphore, #tpu.memory_space<semaphore_mem>>) {add = true}
    %dma_start3A_168 = arith.constant 15 : i32
    %dma_start3A_169 = arith.constant 0 : i32
    %dma_start3A_170 = tpu.memref_slice %arg6[%dma_start3A_169] : memref<128xf32, #tpu.memory_space<vmem>> -> memref<125xf32, #tpu.memory_space<vmem>>
    %dma_start3A_171 = arith.constant 0 : i32
    %dma_start3A_172 = tpu.memref_slice %arg5[%dma_start3A_168, %dma_start3A_171] : memref<125x125xi32, #tpu.memory_space<vmem>> -> memref<1x125xi32, #tpu.memory_space<vmem>>
    %dma_start3A_173 = tpu.memref_squeeze %dma_start3A_172 : memref<1x125xi32, #tpu.memory_space<vmem>> -> memref<125xi32, #tpu.memory_space<vmem>>
    %dma_start3A_174 = arith.constant 0 : i32
    %dma_start3A_175 = tpu.memref_slice %arg7[%dma_start3A_174] : memref<100000xf32, #tpu.memory_space<vmem_shared>> -> memref<100000xf32, #tpu.memory_space<vmem_shared>>
    tpu.enqueue_indirect_dma source(%dma_start3A_170 : memref<125xf32, #tpu.memory_space<vmem>>) target(%dma_start3A_175 : memref<100000xf32, #tpu.memory_space<vmem_shared>>) offsets(%dma_start3A_173 : memref<125xi32, #tpu.memory_space<vmem>>) semaphore(%arg8 : memref<!tpu.dma_semaphore, #tpu.memory_space<semaphore_mem>>) {add = true}
    %scan3A = arith.constant 0 : i32
    %scan3A_176 = arith.constant 0 : i32
    %scan3A_177 = arith.constant 109 : i32
    %scan3A_178 = arith.addi %scan3A_176, %scan3A_177 : i32
    %scan3A_179 = arith.constant 1 : i32
    scf.for %scan3A_314 = %scan3A_176 to %scan3A_178 step %scan3A_179  : i32 {
      %mul3A_315 = arith.constant 1 : i32
      %mul3A_316 = arith.muli %scan3A_314, %mul3A_315 : i32
      %add3A_317 = arith.constant 16 : i32
      %add3A_318 = arith.addi %add3A_317, %mul3A_316 : i32
      %dma_wait3A_319 = arith.constant 0 : i32
      %dma_wait3A_320 = tpu.memref_slice %arg6[%dma_wait3A_319] : memref<128xf32, #tpu.memory_space<vmem>> -> memref<125xf32, #tpu.memory_space<vmem>>
      %dma_wait3A_321 = arith.constant 0 : i32
      %dma_wait3A_322 = tpu.memref_slice %arg5[%scan3A, %dma_wait3A_321] : memref<125x125xi32, #tpu.memory_space<vmem>> -> memref<1x125xi32, #tpu.memory_space<vmem>>
      %dma_wait3A_323 = tpu.memref_squeeze %dma_wait3A_322 : memref<1x125xi32, #tpu.memory_space<vmem>> -> memref<125xi32, #tpu.memory_space<vmem>>
      %dma_wait3A_324 = arith.constant 0 : i32
      %dma_wait3A_325 = tpu.memref_slice %arg7[%dma_wait3A_324] : memref<100000xf32, #tpu.memory_space<vmem_shared>> -> memref<100000xf32, #tpu.memory_space<vmem_shared>>
      tpu.wait_indirect_dma semaphore(%arg8 : memref<!tpu.dma_semaphore, #tpu.memory_space<semaphore_mem>>) src(%dma_wait3A_320 : memref<125xf32, #tpu.memory_space<vmem>>) dst(%dma_wait3A_325 : memref<100000xf32, #tpu.memory_space<vmem_shared>>)
      %dma_start3A_326 = arith.constant 0 : i32
      %dma_start3A_327 = tpu.memref_slice %arg6[%dma_start3A_326] : memref<128xf32, #tpu.memory_space<vmem>> -> memref<125xf32, #tpu.memory_space<vmem>>
      %dma_start3A_328 = arith.constant 0 : i32
      %dma_start3A_329 = tpu.memref_slice %arg5[%add3A_318, %dma_start3A_328] : memref<125x125xi32, #tpu.memory_space<vmem>> -> memref<1x125xi32, #tpu.memory_space<vmem>>
      %dma_start3A_330 = tpu.memref_squeeze %dma_start3A_329 : memref<1x125xi32, #tpu.memory_space<vmem>> -> memref<125xi32, #tpu.memory_space<vmem>>
      %dma_start3A_331 = arith.constant 0 : i32
      %dma_start3A_332 = tpu.memref_slice %arg7[%dma_start3A_331] : memref<100000xf32, #tpu.memory_space<vmem_shared>> -> memref<100000xf32, #tpu.memory_space<vmem_shared>>
      tpu.enqueue_indirect_dma source(%dma_start3A_327 : memref<125xf32, #tpu.memory_space<vmem>>) target(%dma_start3A_332 : memref<100000xf32, #tpu.memory_space<vmem_shared>>) offsets(%dma_start3A_330 : memref<125xi32, #tpu.memory_space<vmem>>) semaphore(%arg8 : memref<!tpu.dma_semaphore, #tpu.memory_space<semaphore_mem>>) {add = true}
    }
    %scan3A_180 = arith.constant 109 : i32
    %dma_wait3A = arith.constant 0 : i32
    %dma_wait3A_181 = arith.constant 0 : i32
    %dma_wait3A_182 = tpu.memref_slice %arg6[%dma_wait3A_181] : memref<128xf32, #tpu.memory_space<vmem>> -> memref<125xf32, #tpu.memory_space<vmem>>
    %dma_wait3A_183 = arith.constant 0 : i32
    %dma_wait3A_184 = tpu.memref_slice %arg5[%dma_wait3A, %dma_wait3A_183] : memref<125x125xi32, #tpu.memory_space<vmem>> -> memref<1x125xi32, #tpu.memory_space<vmem>>
    %dma_wait3A_185 = tpu.memref_squeeze %dma_wait3A_184 : memref<1x125xi32, #tpu.memory_space<vmem>> -> memref<125xi32, #tpu.memory_space<vmem>>
    %dma_wait3A_186 = arith.constant 0 : i32
    %dma_wait3A_187 = tpu.memref_slice %arg7[%dma_wait3A_186] : memref<100000xf32, #tpu.memory_space<vmem_shared>> -> memref<100000xf32, #tpu.memory_space<vmem_shared>>
    tpu.wait_indirect_dma semaphore(%arg8 : memref<!tpu.dma_semaphore, #tpu.memory_space<semaphore_mem>>) src(%dma_wait3A_182 : memref<125xf32, #tpu.memory_space<vmem>>) dst(%dma_wait3A_187 : memref<100000xf32, #tpu.memory_space<vmem_shared>>)
    %dma_wait3A_188 = arith.constant 0 : i32
    %dma_wait3A_189 = arith.constant 0 : i32
    %dma_wait3A_190 = tpu.memref_slice %arg6[%dma_wait3A_189] : memref<128xf32, #tpu.memory_space<vmem>> -> memref<125xf32, #tpu.memory_space<vmem>>
    %dma_wait3A_191 = arith.constant 0 : i32
    %dma_wait3A_192 = tpu.memref_slice %arg5[%dma_wait3A_188, %dma_wait3A_191] : memref<125x125xi32, #tpu.memory_space<vmem>> -> memref<1x125xi32, #tpu.memory_space<vmem>>
    %dma_wait3A_193 = tpu.memref_squeeze %dma_wait3A_192 : memref<1x125xi32, #tpu.memory_space<vmem>> -> memref<125xi32, #tpu.memory_space<vmem>>
    %dma_wait3A_194 = arith.constant 0 : i32
    %dma_wait3A_195 = tpu.memref_slice %arg7[%dma_wait3A_194] : memref<100000xf32, #tpu.memory_space<vmem_shared>> -> memref<100000xf32, #tpu.memory_space<vmem_shared>>
    tpu.wait_indirect_dma semaphore(%arg8 : memref<!tpu.dma_semaphore, #tpu.memory_space<semaphore_mem>>) src(%dma_wait3A_190 : memref<125xf32, #tpu.memory_space<vmem>>) dst(%dma_wait3A_195 : memref<100000xf32, #tpu.memory_space<vmem_shared>>)
    %dma_wait3A_196 = arith.constant 0 : i32
    %dma_wait3A_197 = arith.constant 0 : i32
    %dma_wait3A_198 = tpu.memref_slice %arg6[%dma_wait3A_197] : memref<128xf32, #tpu.memory_space<vmem>> -> memref<125xf32, #tpu.memory_space<vmem>>
    %dma_wait3A_199 = arith.constant 0 : i32
    %dma_wait3A_200 = tpu.memref_slice %arg5[%dma_wait3A_196, %dma_wait3A_199] : memref<125x125xi32, #tpu.memory_space<vmem>> -> memref<1x125xi32, #tpu.memory_space<vmem>>
    %dma_wait3A_201 = tpu.memref_squeeze %dma_wait3A_200 : memref<1x125xi32, #tpu.memory_space<vmem>> -> memref<125xi32, #tpu.memory_space<vmem>>
    %dma_wait3A_202 = arith.constant 0 : i32
    %dma_wait3A_203 = tpu.memref_slice %arg7[%dma_wait3A_202] : memref<100000xf32, #tpu.memory_space<vmem_shared>> -> memref<100000xf32, #tpu.memory_space<vmem_shared>>
    tpu.wait_indirect_dma semaphore(%arg8 : memref<!tpu.dma_semaphore, #tpu.memory_space<semaphore_mem>>) src(%dma_wait3A_198 : memref<125xf32, #tpu.memory_space<vmem>>) dst(%dma_wait3A_203 : memref<100000xf32, #tpu.memory_space<vmem_shared>>)
    %dma_wait3A_204 = arith.constant 0 : i32
    %dma_wait3A_205 = arith.constant 0 : i32
    %dma_wait3A_206 = tpu.memref_slice %arg6[%dma_wait3A_205] : memref<128xf32, #tpu.memory_space<vmem>> -> memref<125xf32, #tpu.memory_space<vmem>>
    %dma_wait3A_207 = arith.constant 0 : i32
    %dma_wait3A_208 = tpu.memref_slice %arg5[%dma_wait3A_204, %dma_wait3A_207] : memref<125x125xi32, #tpu.memory_space<vmem>> -> memref<1x125xi32, #tpu.memory_space<vmem>>
    %dma_wait3A_209 = tpu.memref_squeeze %dma_wait3A_208 : memref<1x125xi32, #tpu.memory_space<vmem>> -> memref<125xi32, #tpu.memory_space<vmem>>
    %dma_wait3A_210 = arith.constant 0 : i32
    %dma_wait3A_211 = tpu.memref_slice %arg7[%dma_wait3A_210] : memref<100000xf32, #tpu.memory_space<vmem_shared>> -> memref<100000xf32, #tpu.memory_space<vmem_shared>>
    tpu.wait_indirect_dma semaphore(%arg8 : memref<!tpu.dma_semaphore, #tpu.memory_space<semaphore_mem>>) src(%dma_wait3A_206 : memref<125xf32, #tpu.memory_space<vmem>>) dst(%dma_wait3A_211 : memref<100000xf32, #tpu.memory_space<vmem_shared>>)
    %dma_wait3A_212 = arith.constant 0 : i32
    %dma_wait3A_213 = arith.constant 0 : i32
    %dma_wait3A_214 = tpu.memref_slice %arg6[%dma_wait3A_213] : memref<128xf32, #tpu.memory_space<vmem>> -> memref<125xf32, #tpu.memory_space<vmem>>
    %dma_wait3A_215 = arith.constant 0 : i32
    %dma_wait3A_216 = tpu.memref_slice %arg5[%dma_wait3A_212, %dma_wait3A_215] : memref<125x125xi32, #tpu.memory_space<vmem>> -> memref<1x125xi32, #tpu.memory_space<vmem>>
    %dma_wait3A_217 = tpu.memref_squeeze %dma_wait3A_216 : memref<1x125xi32, #tpu.memory_space<vmem>> -> memref<125xi32, #tpu.memory_space<vmem>>
    %dma_wait3A_218 = arith.constant 0 : i32
    %dma_wait3A_219 = tpu.memref_slice %arg7[%dma_wait3A_218] : memref<100000xf32, #tpu.memory_space<vmem_shared>> -> memref<100000xf32, #tpu.memory_space<vmem_shared>>
    tpu.wait_indirect_dma semaphore(%arg8 : memref<!tpu.dma_semaphore, #tpu.memory_space<semaphore_mem>>) src(%dma_wait3A_214 : memref<125xf32, #tpu.memory_space<vmem>>) dst(%dma_wait3A_219 : memref<100000xf32, #tpu.memory_space<vmem_shared>>)
    %dma_wait3A_220 = arith.constant 0 : i32
    %dma_wait3A_221 = arith.constant 0 : i32
    %dma_wait3A_222 = tpu.memref_slice %arg6[%dma_wait3A_221] : memref<128xf32, #tpu.memory_space<vmem>> -> memref<125xf32, #tpu.memory_space<vmem>>
    %dma_wait3A_223 = arith.constant 0 : i32
    %dma_wait3A_224 = tpu.memref_slice %arg5[%dma_wait3A_220, %dma_wait3A_223] : memref<125x125xi32, #tpu.memory_space<vmem>> -> memref<1x125xi32, #tpu.memory_space<vmem>>
    %dma_wait3A_225 = tpu.memref_squeeze %dma_wait3A_224 : memref<1x125xi32, #tpu.memory_space<vmem>> -> memref<125xi32, #tpu.memory_space<vmem>>
    %dma_wait3A_226 = arith.constant 0 : i32
    %dma_wait3A_227 = tpu.memref_slice %arg7[%dma_wait3A_226] : memref<100000xf32, #tpu.memory_space<vmem_shared>> -> memref<100000xf32, #tpu.memory_space<vmem_shared>>
    tpu.wait_indirect_dma semaphore(%arg8 : memref<!tpu.dma_semaphore, #tpu.memory_space<semaphore_mem>>) src(%dma_wait3A_222 : memref<125xf32, #tpu.memory_space<vmem>>) dst(%dma_wait3A_227 : memref<100000xf32, #tpu.memory_space<vmem_shared>>)
    %dma_wait3A_228 = arith.constant 0 : i32
    %dma_wait3A_229 = arith.constant 0 : i32
    %dma_wait3A_230 = tpu.memref_slice %arg6[%dma_wait3A_229] : memref<128xf32, #tpu.memory_space<vmem>> -> memref<125xf32, #tpu.memory_space<vmem>>
    %dma_wait3A_231 = arith.constant 0 : i32
    %dma_wait3A_232 = tpu.memref_slice %arg5[%dma_wait3A_228, %dma_wait3A_231] : memref<125x125xi32, #tpu.memory_space<vmem>> -> memref<1x125xi32, #tpu.memory_space<vmem>>
    %dma_wait3A_233 = tpu.memref_squeeze %dma_wait3A_232 : memref<1x125xi32, #tpu.memory_space<vmem>> -> memref<125xi32, #tpu.memory_space<vmem>>
    %dma_wait3A_234 = arith.constant 0 : i32
    %dma_wait3A_235 = tpu.memref_slice %arg7[%dma_wait3A_234] : memref<100000xf32, #tpu.memory_space<vmem_shared>> -> memref<100000xf32, #tpu.memory_space<vmem_shared>>
    tpu.wait_indirect_dma semaphore(%arg8 : memref<!tpu.dma_semaphore, #tpu.memory_space<semaphore_mem>>) src(%dma_wait3A_230 : memref<125xf32, #tpu.memory_space<vmem>>) dst(%dma_wait3A_235 : memref<100000xf32, #tpu.memory_space<vmem_shared>>)
    %dma_wait3A_236 = arith.constant 0 : i32
    %dma_wait3A_237 = arith.constant 0 : i32
    %dma_wait3A_238 = tpu.memref_slice %arg6[%dma_wait3A_237] : memref<128xf32, #tpu.memory_space<vmem>> -> memref<125xf32, #tpu.memory_space<vmem>>
    %dma_wait3A_239 = arith.constant 0 : i32
    %dma_wait3A_240 = tpu.memref_slice %arg5[%dma_wait3A_236, %dma_wait3A_239] : memref<125x125xi32, #tpu.memory_space<vmem>> -> memref<1x125xi32, #tpu.memory_space<vmem>>
    %dma_wait3A_241 = tpu.memref_squeeze %dma_wait3A_240 : memref<1x125xi32, #tpu.memory_space<vmem>> -> memref<125xi32, #tpu.memory_space<vmem>>
    %dma_wait3A_242 = arith.constant 0 : i32
    %dma_wait3A_243 = tpu.memref_slice %arg7[%dma_wait3A_242] : memref<100000xf32, #tpu.memory_space<vmem_shared>> -> memref<100000xf32, #tpu.memory_space<vmem_shared>>
    tpu.wait_indirect_dma semaphore(%arg8 : memref<!tpu.dma_semaphore, #tpu.memory_space<semaphore_mem>>) src(%dma_wait3A_238 : memref<125xf32, #tpu.memory_space<vmem>>) dst(%dma_wait3A_243 : memref<100000xf32, #tpu.memory_space<vmem_shared>>)
    %dma_wait3A_244 = arith.constant 0 : i32
    %dma_wait3A_245 = arith.constant 0 : i32
    %dma_wait3A_246 = tpu.memref_slice %arg6[%dma_wait3A_245] : memref<128xf32, #tpu.memory_space<vmem>> -> memref<125xf32, #tpu.memory_space<vmem>>
    %dma_wait3A_247 = arith.constant 0 : i32
    %dma_wait3A_248 = tpu.memref_slice %arg5[%dma_wait3A_244, %dma_wait3A_247] : memref<125x125xi32, #tpu.memory_space<vmem>> -> memref<1x125xi32, #tpu.memory_space<vmem>>
    %dma_wait3A_249 = tpu.memref_squeeze %dma_wait3A_248 : memref<1x125xi32, #tpu.memory_space<vmem>> -> memref<125xi32, #tpu.memory_space<vmem>>
    %dma_wait3A_250 = arith.constant 0 : i32
    %dma_wait3A_251 = tpu.memref_slice %arg7[%dma_wait3A_250] : memref<100000xf32, #tpu.memory_space<vmem_shared>> -> memref<100000xf32, #tpu.memory_space<vmem_shared>>
    tpu.wait_indirect_dma semaphore(%arg8 : memref<!tpu.dma_semaphore, #tpu.memory_space<semaphore_mem>>) src(%dma_wait3A_246 : memref<125xf32, #tpu.memory_space<vmem>>) dst(%dma_wait3A_251 : memref<100000xf32, #tpu.memory_space<vmem_shared>>)
    %dma_wait3A_252 = arith.constant 0 : i32
    %dma_wait3A_253 = arith.constant 0 : i32
    %dma_wait3A_254 = tpu.memref_slice %arg6[%dma_wait3A_253] : memref<128xf32, #tpu.memory_space<vmem>> -> memref<125xf32, #tpu.memory_space<vmem>>
    %dma_wait3A_255 = arith.constant 0 : i32
    %dma_wait3A_256 = tpu.memref_slice %arg5[%dma_wait3A_252, %dma_wait3A_255] : memref<125x125xi32, #tpu.memory_space<vmem>> -> memref<1x125xi32, #tpu.memory_space<vmem>>
    %dma_wait3A_257 = tpu.memref_squeeze %dma_wait3A_256 : memref<1x125xi32, #tpu.memory_space<vmem>> -> memref<125xi32, #tpu.memory_space<vmem>>
    %dma_wait3A_258 = arith.constant 0 : i32
    %dma_wait3A_259 = tpu.memref_slice %arg7[%dma_wait3A_258] : memref<100000xf32, #tpu.memory_space<vmem_shared>> -> memref<100000xf32, #tpu.memory_space<vmem_shared>>
    tpu.wait_indirect_dma semaphore(%arg8 : memref<!tpu.dma_semaphore, #tpu.memory_space<semaphore_mem>>) src(%dma_wait3A_254 : memref<125xf32, #tpu.memory_space<vmem>>) dst(%dma_wait3A_259 : memref<100000xf32, #tpu.memory_space<vmem_shared>>)
    %dma_wait3A_260 = arith.constant 0 : i32
    %dma_wait3A_261 = arith.constant 0 : i32
    %dma_wait3A_262 = tpu.memref_slice %arg6[%dma_wait3A_261] : memref<128xf32, #tpu.memory_space<vmem>> -> memref<125xf32, #tpu.memory_space<vmem>>
    %dma_wait3A_263 = arith.constant 0 : i32
    %dma_wait3A_264 = tpu.memref_slice %arg5[%dma_wait3A_260, %dma_wait3A_263] : memref<125x125xi32, #tpu.memory_space<vmem>> -> memref<1x125xi32, #tpu.memory_space<vmem>>
    %dma_wait3A_265 = tpu.memref_squeeze %dma_wait3A_264 : memref<1x125xi32, #tpu.memory_space<vmem>> -> memref<125xi32, #tpu.memory_space<vmem>>
    %dma_wait3A_266 = arith.constant 0 : i32
    %dma_wait3A_267 = tpu.memref_slice %arg7[%dma_wait3A_266] : memref<100000xf32, #tpu.memory_space<vmem_shared>> -> memref<100000xf32, #tpu.memory_space<vmem_shared>>
    tpu.wait_indirect_dma semaphore(%arg8 : memref<!tpu.dma_semaphore, #tpu.memory_space<semaphore_mem>>) src(%dma_wait3A_262 : memref<125xf32, #tpu.memory_space<vmem>>) dst(%dma_wait3A_267 : memref<100000xf32, #tpu.memory_space<vmem_shared>>)
    %dma_wait3A_268 = arith.constant 0 : i32
    %dma_wait3A_269 = arith.constant 0 : i32
    %dma_wait3A_270 = tpu.memref_slice %arg6[%dma_wait3A_269] : memref<128xf32, #tpu.memory_space<vmem>> -> memref<125xf32, #tpu.memory_space<vmem>>
    %dma_wait3A_271 = arith.constant 0 : i32
    %dma_wait3A_272 = tpu.memref_slice %arg5[%dma_wait3A_268, %dma_wait3A_271] : memref<125x125xi32, #tpu.memory_space<vmem>> -> memref<1x125xi32, #tpu.memory_space<vmem>>
    %dma_wait3A_273 = tpu.memref_squeeze %dma_wait3A_272 : memref<1x125xi32, #tpu.memory_space<vmem>> -> memref<125xi32, #tpu.memory_space<vmem>>
    %dma_wait3A_274 = arith.constant 0 : i32
    %dma_wait3A_275 = tpu.memref_slice %arg7[%dma_wait3A_274] : memref<100000xf32, #tpu.memory_space<vmem_shared>> -> memref<100000xf32, #tpu.memory_space<vmem_shared>>
    tpu.wait_indirect_dma semaphore(%arg8 : memref<!tpu.dma_semaphore, #tpu.memory_space<semaphore_mem>>) src(%dma_wait3A_270 : memref<125xf32, #tpu.memory_space<vmem>>) dst(%dma_wait3A_275 : memref<100000xf32, #tpu.memory_space<vmem_shared>>)
    %dma_wait3A_276 = arith.constant 0 : i32
    %dma_wait3A_277 = arith.constant 0 : i32
    %dma_wait3A_278 = tpu.memref_slice %arg6[%dma_wait3A_277] : memref<128xf32, #tpu.memory_space<vmem>> -> memref<125xf32, #tpu.memory_space<vmem>>
    %dma_wait3A_279 = arith.constant 0 : i32
    %dma_wait3A_280 = tpu.memref_slice %arg5[%dma_wait3A_276, %dma_wait3A_279] : memref<125x125xi32, #tpu.memory_space<vmem>> -> memref<1x125xi32, #tpu.memory_space<vmem>>
    %dma_wait3A_281 = tpu.memref_squeeze %dma_wait3A_280 : memref<1x125xi32, #tpu.memory_space<vmem>> -> memref<125xi32, #tpu.memory_space<vmem>>
    %dma_wait3A_282 = arith.constant 0 : i32
    %dma_wait3A_283 = tpu.memref_slice %arg7[%dma_wait3A_282] : memref<100000xf32, #tpu.memory_space<vmem_shared>> -> memref<100000xf32, #tpu.memory_space<vmem_shared>>
    tpu.wait_indirect_dma semaphore(%arg8 : memref<!tpu.dma_semaphore, #tpu.memory_space<semaphore_mem>>) src(%dma_wait3A_278 : memref<125xf32, #tpu.memory_space<vmem>>) dst(%dma_wait3A_283 : memref<100000xf32, #tpu.memory_space<vmem_shared>>)
    %dma_wait3A_284 = arith.constant 0 : i32
    %dma_wait3A_285 = arith.constant 0 : i32
    %dma_wait3A_286 = tpu.memref_slice %arg6[%dma_wait3A_285] : memref<128xf32, #tpu.memory_space<vmem>> -> memref<125xf32, #tpu.memory_space<vmem>>
    %dma_wait3A_287 = arith.constant 0 : i32
    %dma_wait3A_288 = tpu.memref_slice %arg5[%dma_wait3A_284, %dma_wait3A_287] : memref<125x125xi32, #tpu.memory_space<vmem>> -> memref<1x125xi32, #tpu.memory_space<vmem>>
    %dma_wait3A_289 = tpu.memref_squeeze %dma_wait3A_288 : memref<1x125xi32, #tpu.memory_space<vmem>> -> memref<125xi32, #tpu.memory_space<vmem>>
    %dma_wait3A_290 = arith.constant 0 : i32
    %dma_wait3A_291 = tpu.memref_slice %arg7[%dma_wait3A_290] : memref<100000xf32, #tpu.memory_space<vmem_shared>> -> memref<100000xf32, #tpu.memory_space<vmem_shared>>
    tpu.wait_indirect_dma semaphore(%arg8 : memref<!tpu.dma_semaphore, #tpu.memory_space<semaphore_mem>>) src(%dma_wait3A_286 : memref<125xf32, #tpu.memory_space<vmem>>) dst(%dma_wait3A_291 : memref<100000xf32, #tpu.memory_space<vmem_shared>>)
    %dma_wait3A_292 = arith.constant 0 : i32
    %dma_wait3A_293 = arith.constant 0 : i32
    %dma_wait3A_294 = tpu.memref_slice %arg6[%dma_wait3A_293] : memref<128xf32, #tpu.memory_space<vmem>> -> memref<125xf32, #tpu.memory_space<vmem>>
    %dma_wait3A_295 = arith.constant 0 : i32
    %dma_wait3A_296 = tpu.memref_slice %arg5[%dma_wait3A_292, %dma_wait3A_295] : memref<125x125xi32, #tpu.memory_space<vmem>> -> memref<1x125xi32, #tpu.memory_space<vmem>>
    %dma_wait3A_297 = tpu.memref_squeeze %dma_wait3A_296 : memref<1x125xi32, #tpu.memory_space<vmem>> -> memref<125xi32, #tpu.memory_space<vmem>>
    %dma_wait3A_298 = arith.constant 0 : i32
    %dma_wait3A_299 = tpu.memref_slice %arg7[%dma_wait3A_298] : memref<100000xf32, #tpu.memory_space<vmem_shared>> -> memref<100000xf32, #tpu.memory_space<vmem_shared>>
    tpu.wait_indirect_dma semaphore(%arg8 : memref<!tpu.dma_semaphore, #tpu.memory_space<semaphore_mem>>) src(%dma_wait3A_294 : memref<125xf32, #tpu.memory_space<vmem>>) dst(%dma_wait3A_299 : memref<100000xf32, #tpu.memory_space<vmem_shared>>)
    %dma_wait3A_300 = arith.constant 0 : i32
    %dma_wait3A_301 = arith.constant 0 : i32
    %dma_wait3A_302 = tpu.memref_slice %arg6[%dma_wait3A_301] : memref<128xf32, #tpu.memory_space<vmem>> -> memref<125xf32, #tpu.memory_space<vmem>>
    %dma_wait3A_303 = arith.constant 0 : i32
    %dma_wait3A_304 = tpu.memref_slice %arg5[%dma_wait3A_300, %dma_wait3A_303] : memref<125x125xi32, #tpu.memory_space<vmem>> -> memref<1x125xi32, #tpu.memory_space<vmem>>
    %dma_wait3A_305 = tpu.memref_squeeze %dma_wait3A_304 : memref<1x125xi32, #tpu.memory_space<vmem>> -> memref<125xi32, #tpu.memory_space<vmem>>
    %dma_wait3A_306 = arith.constant 0 : i32
    %dma_wait3A_307 = tpu.memref_slice %arg7[%dma_wait3A_306] : memref<100000xf32, #tpu.memory_space<vmem_shared>> -> memref<100000xf32, #tpu.memory_space<vmem_shared>>
    tpu.wait_indirect_dma semaphore(%arg8 : memref<!tpu.dma_semaphore, #tpu.memory_space<semaphore_mem>>) src(%dma_wait3A_302 : memref<125xf32, #tpu.memory_space<vmem>>) dst(%dma_wait3A_307 : memref<100000xf32, #tpu.memory_space<vmem_shared>>)
    %barrier3A_308 = arith.constant 0 : index
    tpu.barrier barrier_id(%barrier3A_308)
    %eq3A_309 = arith.constant 0 : i32
    %eq3A_310 = arith.cmpi eq, %arg1, %eq3A_309 : i32
    %convert_element_type3A_311 = arith.extui %eq3A_310 : i1 to i32
    %cond3A_312 = arith.constant 0 : i32
    %cond3A_313 = arith.cmpi ne, %convert_element_type3A_311, %cond3A_312 : i32
    scf.if %cond3A_313 {
      "tpu.region"() ({
        %run_scoped3A = tpu.sem_alloc : memref<!tpu.dma_semaphore, #tpu.memory_space<semaphore_mem>>
        %dma_start3A_314 = arith.constant 0 : i32
        %dma_start3A_315 = tpu.memref_slice %arg4[%arg0, %dma_start3A_314] : memref<2x100000xf32, #tpu.memory_space<hbm>> -> memref<1x100000xf32, #tpu.memory_space<hbm>>
        %dma_start3A_316 = tpu.memref_squeeze %dma_start3A_315 : memref<1x100000xf32, #tpu.memory_space<hbm>> -> memref<100000xf32, #tpu.memory_space<hbm>>
        tpu.enqueue_dma source(%arg7 : memref<100000xf32, #tpu.memory_space<vmem_shared>>) target(%dma_start3A_316 : memref<100000xf32, #tpu.memory_space<hbm>>) target_semaphore(%run_scoped3A : memref<!tpu.dma_semaphore, #tpu.memory_space<semaphore_mem>>)
        %dma_wait3A_317 = arith.constant 0 : i32
        %dma_wait3A_318 = tpu.memref_slice %arg4[%arg0, %dma_wait3A_317] : memref<2x100000xf32, #tpu.memory_space<hbm>> -> memref<1x100000xf32, #tpu.memory_space<hbm>>
        %dma_wait3A_319 = tpu.memref_squeeze %dma_wait3A_318 : memref<1x100000xf32, #tpu.memory_space<hbm>> -> memref<100000xf32, #tpu.memory_space<hbm>>
        tpu.wait_dma2 semaphore(%run_scoped3A : memref<!tpu.dma_semaphore, #tpu.memory_space<semaphore_mem>>) src(%arg7 : memref<100000xf32, #tpu.memory_space<vmem_shared>>) dst(%dma_wait3A_319 : memref<100000xf32, #tpu.memory_space<hbm>>)
        tpu.yield
      }) : () -> ()
    } else {
    }
    return
  }
}

module attributes {stable_mosaic.version = 14 : i64} {
  func.func @_matvec_body(%arg0: i32, %arg1: memref<2x1x1x10000xf32, #tpu.memory_space<vmem>>, %arg2: memref<10000x128xf32, #tpu.memory_space<vmem>>, %arg3: memref<1x128xf32, #tpu.memory_space<vmem>>) attributes {dimension_semantics = [#tpu.dimension_semantics<arbitrary>], iteration_bounds = array<i64: 10>, scalar_prefetch = 0 : i64, scratch_operands = 0 : i64, tpu.core_type = #tpu.core_type<tc>, window_params = [{transform_indices = @transform_0, window_bounds = array<i64: 2, 1, 1, 10000>}, {transform_indices = @transform_1, window_bounds = array<i64: 10000, 128>}, {pipeline_mode = #tpu.pipeline_mode<synchronous>, transform_indices = @transform_2, window_bounds = array<i64: 1, 128>}]} {
    %get3A = arith.constant 0 : index
    %get3A_0 = arith.constant 0 : index
    %get3A_1 = arith.constant 0 : index
    %get3A_2 = arith.constant 0 : index
    %get3A_3 = vector.load %arg1[%get3A, %get3A_0, %get3A_1, %get3A_2] : memref<2x1x1x10000xf32, #tpu.memory_space<vmem>>, vector<2x1x1x10000xf32>
    %reshape3A = vector.shape_cast %get3A_3 : vector<2x1x1x10000xf32> to vector<2x10000xf32>
    %reduce_sum3A = arith.constant dense<0.000000e+00> : vector<10000xf32>
    %reduce_sum3A_4 = vector.multi_reduction <add>, %reshape3A, %reduce_sum3A [0] : vector<2x10000xf32> to vector<10000xf32>
    %broadcast_in_dim3A = vector.shape_cast %reduce_sum3A_4 : vector<10000xf32> to vector<1x10000xf32>
    %get3A_5 = arith.constant 0 : index
    %get3A_6 = arith.constant 0 : index
    %get3A_7 = vector.load %arg2[%get3A_5, %get3A_6] : memref<10000x128xf32, #tpu.memory_space<vmem>>, vector<10000x128xf32>
    %dot_general3A = arith.constant dense<0.000000e+00> : vector<1x128xf32>
    %dot_general3A_8 = tpu.matmul %broadcast_in_dim3A, %get3A_7, %dot_general3A {dimension_numbers = #tpu.dot_dimension_numbers<[1], [0], [0], [1], [0, 0, 1, 1], [], []>, transpose_lhs_hint = false} : vector<1x10000xf32>, vector<10000x128xf32>, vector<1x128xf32> -> vector<1x128xf32>
    %eq3A = arith.constant 0 : i32
    %eq3A_9 = arith.cmpi eq, %arg0, %eq3A : i32
    %convert_element_type3A = arith.extui %eq3A_9 : i1 to i32
    %cond3A = arith.constant 0 : i32
    %cond3A_10 = arith.cmpi ne, %convert_element_type3A, %cond3A : i32
    scf.if %cond3A_10 {
      %swap3A = arith.constant 0 : index
      %swap3A_20 = arith.constant 0 : index
      %swap3A_21 = vector.load %arg3[%swap3A, %swap3A_20] : memref<1x128xf32, #tpu.memory_space<vmem>>, vector<1x128xf32>
      tpu.vector_store %arg3[%swap3A, %swap3A_20], %dot_general3A_8 {strides = array<i32>} : memref<1x128xf32, #tpu.memory_space<vmem>>, vector<1x128xf32>,
    } else {
    }
    %ne3A = arith.constant 0 : i32
    %ne3A_11 = arith.cmpi ne, %arg0, %ne3A : i32
    %convert_element_type3A_12 = arith.extui %ne3A_11 : i1 to i32
    %cond3A_13 = arith.constant 0 : i32
    %cond3A_14 = arith.cmpi ne, %convert_element_type3A_12, %cond3A_13 : i32
    scf.if %cond3A_14 {
      %get3A_20 = arith.constant 0 : index
      %get3A_21 = arith.constant 0 : index
      %get3A_22 = vector.load %arg3[%get3A_20, %get3A_21] : memref<1x128xf32, #tpu.memory_space<vmem>>, vector<1x128xf32>
      %add3A = arith.addf %get3A_22, %dot_general3A_8 : vector<1x128xf32>
      %swap3A = arith.constant 0 : index
      %swap3A_23 = arith.constant 0 : index
      %swap3A_24 = vector.load %arg3[%swap3A, %swap3A_23] : memref<1x128xf32, #tpu.memory_space<vmem>>, vector<1x128xf32>
      tpu.vector_store %arg3[%swap3A, %swap3A_23], %add3A {strides = array<i32>} : memref<1x128xf32, #tpu.memory_space<vmem>>, vector<1x128xf32>,
    } else {
    }
    %eq3A_15 = arith.constant 9 : i32
    %eq3A_16 = arith.cmpi eq, %arg0, %eq3A_15 : i32
    %convert_element_type3A_17 = arith.extui %eq3A_16 : i1 to i32
    %cond3A_18 = arith.constant 0 : i32
    %cond3A_19 = arith.cmpi ne, %convert_element_type3A_17, %cond3A_18 : i32
    scf.if %cond3A_19 {
      %get3A_20 = arith.constant 0 : index
      %get3A_21 = arith.constant 0 : index
      %get3A_22 = vector.load %arg3[%get3A_20, %get3A_21] : memref<1x128xf32, #tpu.memory_space<vmem>>, vector<1x128xf32>
      %mul3A = arith.constant 2.000000e-06 : f32
      %mul3A_23 = vector.broadcast %mul3A : f32 to vector<1x128xf32>
      %mul3A_24 = arith.mulf %get3A_22, %mul3A_23 : vector<1x128xf32>
      %swap3A = arith.constant 0 : index
      %swap3A_25 = arith.constant 0 : index
      %swap3A_26 = vector.load %arg3[%swap3A, %swap3A_25] : memref<1x128xf32, #tpu.memory_space<vmem>>, vector<1x128xf32>
      tpu.vector_store %arg3[%swap3A, %swap3A_25], %mul3A_24 {strides = array<i32>} : memref<1x128xf32, #tpu.memory_space<vmem>>, vector<1x128xf32>,
    } else {
    }
    return
  }
  func.func @transform_0(%arg0: i32) -> (i32, i32, i32, i32) {
    %c0_i32 = arith.constant 0 : i32
    %c0_i32_0 = arith.constant 0 : i32
    %c0_i32_1 = arith.constant 0 : i32
    %c0_i32_2 = arith.constant 0 : i32
    return %c0_i32, %arg0, %c0_i32_0, %c0_i32_1 : i32, i32, i32, i32
  }
  func.func @transform_1(%arg0: i32) -> (i32, i32) {
    %c0_i32 = arith.constant 0 : i32
    %c0_i32_0 = arith.constant 0 : i32
    return %arg0, %c0_i32 : i32, i32
  }
  func.func @transform_2(%arg0: i32) -> (i32, i32) {
    %c0_i32 = arith.constant 0 : i32
    %c0_i32_0 = arith.constant 0 : i32
    %c0_i32_1 = arith.constant 0 : i32
    return %c0_i32, %c0_i32_0 : i32, i32
  }
}

</mosaic_0001>

<sc_bundles>
// kernel: kernel.4.cloned.1.call-start
scs
__scs_entry_jumppad:
0x0: {  	(pc) =	sbr.rel $0x88, $3  }
0x1: {  	(tag) =	ssettag $0x0;
	lr =	simm.s32 $0x1  }
0x2: {  	[smem:$0x3F9F] =	sst lr;
	_ =	strace $0xD0000000  }
0x3: {  	_ = 	snop  }
0x4: {  	_ = 	snop  }
0x5: {  	_ = 	snop  }
0x6: {  	_ = 	snop  }
0x7: {  	_ = 	snop  }
__scs_overlays_trampoline_lowered:
0x8: {  	[smem:$0x3FAE] =	sst s0  }
0x9: {  	[smem:$0x3FAF] =	sst s1  }
0xa: {  	[smem:$0x3FB0] =	sst s2  }
0xb: {  	[smem:$0x3FB1] =	sst s3  }
0xc: {  	[smem:$0x3FB2] =	sst s4  }
0xd: {  	[smem:$0x3FB3] =	sst s5  }
0xe: {  	[smem:$0x3FB4] =	sst s6  }
0xf: {  	[smem:$0x3FB5] =	sst s7  }
0x10: {  	[smem:$0x3FB6] =	sst s8  }
0x11: {  	[smem:$0x3FB7] =	sst s9;
	s0 =	simm.s32 @!p0 $0x0  }
0x12: {  	s1 =	sld [smem:$0x3F9D];
	s0 =	simm.s32 @p0 $0x1  }
0x13: {  	[smem:$0x3FB8] =	sst s0;
	s0 =	simm.s32 @!p1 $0x0  }
0x14: {  	s2 =	sld [smem:$0x3F9C];
	s0 =	simm.s32 @p1 $0x1  }
0x15: {  	[smem:$0x3FB9] =	sst s0;
	s0 =	simm.s32 @!p2 $0x0  }
0x16: {  	s3 =	sld [smem:$0x3FDB];
	s0 =	simm.s32 @p2 $0x1  }
0x17: {  	s4 =	simm.s32 $0x1BF5;
	[smem:$0x3FBB] =	sst s0  }
0x18: {  	s0 =	sld [smem:$0x3F9E];
	_ =	swait.ge [sflag:s4], $0x0  }
0x19: {  	s7 =	sld [smem:$0x3F9F]  }
0x1a: {  	s8 =	sadd.s32 $0xFFFFE003, lr  }
0x1b: {  	s9 =	sadd.s32 $0xFFFFFEF7, lr;
	s5 =	simm.s32 $0xFFFFFFFF;
	p2 =	slt.u32 s8, $0xFFFFF086  }
0x1c: {  	p1 =	slt.u32 s9, $0xF7A;
	s5 =	simm.s32 @!p2 $0x0  }
0x1d: {  	s5 =	simm.s32 @p1 $0x1;
	p0 =	seq.s32 s7, s2  }
0x1e: {  	s7 =	smul.u32 @!p0 $0xF7A, s2;
	p2 =	seq.s32 @!p0 s5, $0x0  }
0x1f: {  	s9 =	smul.u32 $0xF7A, s1;
	s8 =	simm.s32 @!p0 $0x1BF5;
	p2 =	por !p2, p0  }
0x20: {  	[sflag:s8] =	ssyncset.s32 @!p0 $0xFFFFF086;
	s6 =	sadd.s32 @!p0 s3, s7;
	s7 =	simm.s32 @!p0 $0x108  }
0x21: {  	s3 =	sadd.s32 s3, s9;
	s6 =	sadd.s32 @!p0 $0x88, s6;
	s7 =	simm.s32 @p2 $0x1082  }
0x22: {  	[simem:s7], [sflag:s8] =	dma.local @!p0 [hbm:s6], $0xF7A  }
0x23: {  	s9 =	sor.u32 $0xD0000000, s2;
	s6 =	simm.s32 $0x108;
	_ =	swait.ge @!p0 [sflag:s8], $0x0  }
0x24: {  	s3 =	sadd.s32 $0x88, s3;
	s6 =	simm.s32 @!p1 $0x1082;
	[sflag:s4] =	ssyncset.s32 $0xFFFFF086  }
0x25: {  	[simem:s6], [sflag:s4] =	dma.local [hbm:s3], $0xF7A  }
0x26: {  	[smem:$0x3F9F] =	sst s1;
	(tag) =	ssettag s2;
	_ =	strace s9  }
0x27: {  	s1 =	sld [smem:$0x3FAF]  }
0x28: {  	s2 =	sld [smem:$0x3FB0]  }
0x29: {  	s4 =	sld [smem:$0x3FB2]  }
0x2a: {  	p0 =	seq.s32 s5, $0x0;
	s5 =	sld [smem:$0x3FB3]  }
0x2b: {  	s6 =	sld [smem:$0x3FB4]  }
0x2c: {  	s7 =	sld [smem:$0x3FB5]  }
0x2d: {  	s3 =	simm.s32 $0x108;
	s8 =	sld [smem:$0x3FB6]  }
0x2e: {  	s3 =	simm.s32 @!p0 $0x1082;
	s9 =	sld [smem:$0x3FB7]  }
0x2f: {  	lr =	sadd.s32 s0, s3;
	s0 =	sld [smem:$0x3FAE]  }
0x30: {  	s3 =	sld [smem:$0x3FB1]  }
0x31: {  	[smem:$0x3FBA] =	sst s10  }
0x32: {  	s10 =	sld [smem:$0x3FB8];
	_ =	sdelay $0x3  }
0x33: {  	p0 =	seq.s32 s10, $0x1;
	s10 =	sld [smem:$0x3FBA];
	_ =	sdelay $0x3  }
0x34: {  	[smem:$0x3FBA] =	sst s10  }
0x35: {  	s10 =	sld [smem:$0x3FB9];
	_ =	sdelay $0x3  }
0x36: {  	p1 =	seq.s32 s10, $0x1;
	s10 =	sld [smem:$0x3FBA];
	_ =	sdelay $0x3  }
0x37: {  	[smem:$0x3FBA] =	sst s10  }
0x38: {  	s10 =	sld [smem:$0x3FBB]  }
0x39: {  	_ = 	snop;
	(pc) =	sbr.ind lr, $3  }
0x3a: {  	_ = 	snop  }
0x3b: {  	_ = 	snop  }
0x3c: {  	p2 =	seq.s32 s10, $0x1;
	s10 =	sld [smem:$0x3FBA]  }
0x3d: {  	_ =	shalt  }
0x3e: {  	_ =	shalt  }
0x3f: {  	_ =	shalt  }
0x40: {  	_ =	shalt  }
0x41: {  	_ =	shalt  }
0x42: {  	_ =	shalt  }
0x43: {  	_ =	shalt  }
0x44: {  	_ =	shalt  }
0x45: {  	_ =	shalt  }
0x46: {  	_ =	shalt  }
0x47: {  	_ =	shalt  }
0x48: {  	_ =	shalt  }
0x49: {  	_ =	shalt  }
0x4a: {  	_ =	shalt  }
0x4b: {  	_ =	shalt  }
0x4c: {  	_ =	shalt  }
0x4d: {  	_ =	shalt  }
0x4e: {  	_ =	shalt  }
0x4f: {  	_ =	shalt  }
0x50: {  	_ =	shalt  }
0x51: {  	_ =	shalt  }
0x52: {  	_ =	shalt  }
0x53: {  	_ =	shalt  }
0x54: {  	_ =	shalt  }
0x55: {  	_ =	shalt  }
0x56: {  	_ =	shalt  }
0x57: {  	_ =	shalt  }
0x58: {  	_ =	shalt  }
0x59: {  	_ =	shalt  }
0x5a: {  	_ =	shalt  }
0x5b: {  	_ =	shalt  }
0x5c: {  	_ =	shalt  }
0x5d: {  	_ =	shalt  }
0x5e: {  	_ =	shalt  }
0x5f: {  	_ =	shalt  }
0x60: {  	_ =	shalt  }
0x61: {  	_ =	shalt  }
0x62: {  	_ =	shalt  }
0x63: {  	_ =	shalt  }
0x64: {  	_ =	shalt  }
0x65: {  	_ =	shalt  }
0x66: {  	_ =	shalt  }
0x67: {  	_ =	shalt  }
0x68: {  	_ =	shalt  }
0x69: {  	_ =	shalt  }
0x6a: {  	_ =	shalt  }
0x6b: {  	_ =	shalt  }
0x6c: {  	_ =	shalt  }
0x6d: {  	_ =	shalt  }
0x6e: {  	_ =	shalt  }
0x6f: {  	_ =	shalt  }
0x70: {  	_ =	shalt  }
0x71: {  	_ =	shalt  }
0x72: {  	_ =	shalt  }
0x73: {  	_ =	shalt  }
0x74: {  	_ =	shalt  }
0x75: {  	_ =	shalt  }
0x76: {  	_ =	shalt  }
0x77: {  	_ =	shalt  }
0x78: {  	_ =	shalt  }
0x79: {  	_ =	shalt  }
0x7a: {  	_ =	shalt  }
0x7b: {  	_ =	shalt  }
0x7c: {  	_ =	shalt  }
0x7d: {  	_ =	shalt  }
0x7e: {  	_ =	shalt  }
0x7f: {  	_ =	shalt  }
0x80: {  	_ =	shalt  }
0x81: {  	_ =	shalt  }
0x82: {  	_ =	shalt  }
0x83: {  	_ =	shalt  }
0x84: {  	_ =	shalt  }
0x85: {  	_ =	shalt  }
0x86: {  	_ =	shalt  }
0x87: {  	_ =	shalt  }
.Lfunc_end0:
.L_simem_size_0:
called_computation_lowered:
.L_overlay_start_0:
0x88: {  	s2 =	sld [smem:$0x3FD9]  }
0x89: {  	s3 =	sld [smem:$0x3FFE];
	_ =	sdelay $0x1  }
0x8a: {  	s1 =	srdreg.scid  }
0x8b: {  	s0 =	sand.u32 $0x1, s1  }
0x8c: {  	s16 =	sshll.u32 s0, $0xA;
	s2 =	sadd.s32 s3, s2  }
0x8d: {  	s2 =	sadd.s32 s2, s16  }
0x8e: {  	[smem:$0x3FC6] =	sst s2  }
0x8f: {  	_ = 	snop  }
0x90: {  	(tm) =	ssettm $0x1  }
0x91: {  	s17 =	sld [smem:$0x3FFB];
	_ =	sdelay $0x3  }
0x92: {  	_ =	strace s17  }
0x93: {  	s2 =	sld [smem:$0x3FFC];
	_ =	sdelay $0x3  }
0x94: {  	_ =	strace s2  }
0x95: {  	s2 =	sld [smem:$0x3FFD];
	_ =	sdelay $0x3  }
0x96: {  	_ =	strace s2  }
0x97: {  	_ =	strace $0x8FFFFFFF  }
0x98: {  	s18 =	sld [smem:$0x3FDB];
	_ =	sdelay $0x1  }
0x99: {  	s19 =	simm.s32 $_scs_section_size  }
0x9a: {  	s4 =	simm.s32 $_size__tile_overlayer_lowered;
	s5 =	simm.s32 $_tile_overlayer_lowered  }
0x9b: {  	s22 =	simm.s32 $0x1BFF;
	s21 =	sshll.u32 s5, $0x1;
	s2 =	sadd.s32 s19, s18  }
0x9c: {  	s6 =	simm.s32 $0x0;
	s20 =	sshll.u32 s4, $0x1;
	s4 =	sadd.s32 s21, s2  }
0x9d: {  	[timem:s6], [sflag:s22] =	dma.local [hbm:s4], s20  }
0x9e: {  	_ =	swait.ge [sflag:s22], s20  }
0x9f: {  	s3 =	ssub.s32 $0x0, s20;
	[sflag:s22] =	ssyncset.done $0x0  }
0xa0: {  	[sflag:s22] =	ssyncadd.s32 s3;
	_ =	sdelay $0x1  }
0xa1: {  	s23 =	simm.s32 $0x1B8B  }
0xa2: {  	_ =	swait.ge [sflag:s23], $0x1  }
0xa3: {  	[sflag:s23] =	ssyncset.done $0x0  }
0xa4: {  	s25 =	simm.s32 $0x1B8E;
	s24 =	sld [smem:$0x3FFE];
	[sflag:s23] =	ssyncadd.s32 $0xFFFFFFFF  }
0xa5: {  	s26 =	simm.s32 $execute0_lowered;
	[smem:$0x3FD2] =	sst s25  }
0xa6: {  	s4 =	sshll.u32 s26, $0x1;
	_ =	strace $0x80000046;
	[dreg:$0x1] =	wrdreg $0xFFFFFFFF  }
0xa7: {  	s28 =	simm.s32 $_size_execute0_lowered;
	s2 =	sadd.s32 s2, s4;
	[dreg:$0x0] =	wrdreg $0x0  }
0xa8: {  	s4 =	sshll.u32 s28, $0x1;
	[dreg:$0x2] =	wrdreg s2  }
0xa9: {  	[dreg:$0x3] =	wrdreg s4  }
0xaa: {  	[dreg:$0x4] =	wrdreg $0xC0  }
0xab: {  	_ =	task [dreg:s6], $0x5FFFF  }
0xac: {  	[dreg:$0x1] =	wrdreg $0xFFFFFFFF  }
0xad: {  	[dreg:$0x0] =	wrdreg $0x60  }
0xae: {  	[dreg:$0x2] =	wrdreg s24  }
0xaf: {  	[dreg:$0x3] =	wrdreg $0x40800  }
0xb0: {  	[dreg:$0x4] =	wrdreg $0x9  }
0xb1: {  	_ =	task.clear_ibuf [dreg:s6], $0x5FFFF;
	_ =	strace $0x90000046  }
0xb2: {  	s29 =	simm.s32 $0x9;
	_ =	strace $0x80000048  }
0xb3: {  	_ =	swait.ge [sflag:s29], $0x1  }
0xb4: {  	[sflag:s29] =	ssyncadd.s32 $0xFFFFFFFF  }
0xb5: {  	_ =	strace $0x90000048  }
0xb6: {  	_ =	sfence  }
0xb7: {  	s30 =	sld [smem:$0x0];
	_ =	sdelay $0x2  }
0xb8: {  	s31 =	sshll.u32 s1, $0xD;
	s1 =	sshrl.u32 s1, $0x2  }
0xb9: {  	s3 =	sand.u32 $0x4000, s31;
	s1 =	sadd.s32 s1, s30  }
0xba: {  	s0 =	sor.u32 s3, s0;
	s1 =	sshll.u32 s1, $0x11  }
0xbb: {  	s0 =	sor.u32 s1, s0  }
0xbc: {  	s0 =	sadd.s32 $0x8F2B, s0  }
0xbd: {  	[sflag:s0] =	ssyncadd.remote.s32 $0x1  }
0xbe: {  	_ =	sfence.sel $0xFFFF  }
0xbf: {  	[dreg:$0x0] =	wrdreg $0xFFFFFFFF;
	(pc) =	sbr.abs _section_cstart, $3  }
0xc0: {  	[dreg:$0x1] =	wrdreg $0xFFFFFFFF  }
0xc1: {  	_ =	task.clear_ibuf [dreg:s6], $0x2FFFF;
	_ =	strace $0x9FFFFFFF  }
0xc2: {  	(tm) =	ssettm $0x7FFFFFFF  }
0xc3: {  	_ =	shalt  }
tec
execute0_lowered:
.L_overlay_start_1:
0x0: {  	(tag) =	ssettag $0x1  }
0x1: {  	s4 =	rddreg [dreg:$0x0]  }
0x2: {  	s1 =	rddreg [dreg:$0x1];
	s2 =	simm.s32 $0x0;
	s7 =	stileid.u32  }
0x3: {  	s5 =	srdreg.scid;
	s11 =	simm.s32 $0x80;
	s12 =	simm.s32 $0x100  }
0x4: {  	s13 =	simm.s32 $0x180;
	s14 =	simm.s32 $0x200;
	s15 =	simm.s32 $0x280  }
0x5: {  	s16 =	simm.s32 $0x300;
	s17 =	simm.s32 $0x380;
	s18 =	simm.s32 $0x400  }
0x6: {  	s19 =	simm.s32 $0x480;
	s20 =	simm.s32 $0x500;
	s21 =	simm.s32 $0x580  }
0x7: {  	s22 =	simm.s32 $0x600;
	s23 =	simm.s32 $0x680;
	s24 =	simm.s32 $0x700  }
0x8: {  	s25 =	simm.s32 $0x780;
	s26 =	simm.s32 $0x1;
	s28 =	simm.s32 $0x0  }
0x9: {  	[smem:$0x7FF] =	sst s2;
	s3 =	sshll.u32 s7, $0xB;
	s5 =	sand.u32 $0x1, s5  }
0xa: {  	p0 =	sne.s32 s7, $0x0;
	s7 =	simm.s32 $0x2;
	_ =	strace $0x80000047  }
0xb: {  	s6 =	sadd.s32 s3, s4;
	s3 =	sadd.s32 $0x10400, s4;
	s8 =	ssub.s32 $0x2, s5  }
0xc: {  	s9 =	sshll.u32 s5, $0xF;
	s5 =	sshll.u32 s5, $0x4;
	s10 =	sshrl.u32 s8, $0x1  }
0xd: {  	s6 =	sadd.s32 s9, s6;
	s5 =	sadd.s32 s5, s4;
	s9 =	simm.s32 $0x7D  }
0xe: {  	s8 =	ssub.s32 s8, s10;
	s4 =	sadd.s32 $0x400, s6;
	s5 =	sadd.s32 $0x13600, s5  }
0xf: {  	v0 =	vimm.f32 $1.000000000e+00;
	s10 =	simm.s32 $0x4000;
	s6 =	smax.u32 s8, $0x1;
	s8 =	sshrl.u32 @!p0 s1, $0x3  }
.LBB2_1:
0x10: {  	[tilespmem:$0x4000] =	vst v0  }
0x11: {  	[tilespmem:$0x4010] =	vst v0  }
0x12: {  	[tilespmem:$0x4020] =	vst v0  }
0x13: {  	[tilespmem:$0x4030] =	vst v0  }
0x14: {  	[tilespmem:$0x4040] =	vst v0  }
0x15: {  	[tilespmem:$0x4050] =	vst v0  }
0x16: {  	[tilespmem:$0x4060] =	vst v0  }
0x17: {  	[tilespmem:$0x4070] =	vst v0  }
0x18: {  	[tilespmem:s2], [sflag:$0x2] =	stream.linear.gather [hbm4b:s4+s2], $0x3E80, $0x38;
	[tilespmem:$0x58F0] =	vst v63  }
0x19: {  	_ =	swait.ge [sflag:s7], $0x3E80  }
0x1a: {  	[sflag:s7] =	ssyncset.done $0x0  }
0x1b: {  	s29 =	simm.s32 @!p0 $0x1C02;
	[sflag:s7] =	ssyncadd.s32 $0xFFFFC180  }
0x1c: {  	[spmem:s8], [sflag:s29] =	dma.local @!p0 [hbm:s3], $0x30E0  }
0x1d: {  	s29 =	simm.s32 @!p0 $0x2  }
0x1e: {  	_ =	swait.ge @!p0 [sflag:s29], $0x30E0  }
0x1f: {  	[sflag:s29] =	ssyncset.done @!p0 $0x0  }
0x20: {  	[sflag:s29] =	ssyncadd.s32 @!p0 $0xFFFFCF20  }
0x21: {  	[bflag:$0x0] =	sbarrier.arrive $0xFFFF  }
0x22: {  	[spmem:s1] =	stream.indirect.scatter.add.f32 [tilespmem:s10], [sflag:$0x1], $0x1, s2, s9, $0xb8;
	[tilespmem:$0x58F0] =	vst v63  }
0x23: {  	_ = 	snop  }
0x24: {  	[spmem:s1] =	stream.indirect.scatter.add.f32 [tilespmem:s10], [sflag:$0x1], $0x1, s11, s9, $0xb8;
	[tilespmem:$0x58F0] =	vst v63  }
0x25: {  	_ = 	snop  }
0x26: {  	[spmem:s1] =	stream.indirect.scatter.add.f32 [tilespmem:s10], [sflag:$0x1], $0x1, s12, s9, $0xb8;
	[tilespmem:$0x58F0] =	vst v63  }
0x27: {  	_ = 	snop  }
0x28: {  	[spmem:s1] =	stream.indirect.scatter.add.f32 [tilespmem:s10], [sflag:$0x1], $0x1, s13, s9, $0xb8;
	[tilespmem:$0x58F0] =	vst v63  }
0x29: {  	_ = 	snop  }
0x2a: {  	[spmem:s1] =	stream.indirect.scatter.add.f32 [tilespmem:s10], [sflag:$0x1], $0x1, s14, s9, $0xb8;
	[tilespmem:$0x58F0] =	vst v63  }
0x2b: {  	_ = 	snop  }
0x2c: {  	[spmem:s1] =	stream.indirect.scatter.add.f32 [tilespmem:s10], [sflag:$0x1], $0x1, s15, s9, $0xb8;
	[tilespmem:$0x58F0] =	vst v63  }
0x2d: {  	_ = 	snop  }
0x2e: {  	[spmem:s1] =	stream.indirect.scatter.add.f32 [tilespmem:s10], [sflag:$0x1], $0x1, s16, s9, $0xb8;
	[tilespmem:$0x58F0] =	vst v63  }
0x2f: {  	_ = 	snop  }
0x30: {  	[spmem:s1] =	stream.indirect.scatter.add.f32 [tilespmem:s10], [sflag:$0x1], $0x1, s17, s9, $0xb8;
	[tilespmem:$0x58F0] =	vst v63  }
0x31: {  	_ = 	snop  }
0x32: {  	[spmem:s1] =	stream.indirect.scatter.add.f32 [tilespmem:s10], [sflag:$0x1], $0x1, s18, s9, $0xb8;
	[tilespmem:$0x58F0] =	vst v63  }
0x33: {  	_ = 	snop  }
0x34: {  	[spmem:s1] =	stream.indirect.scatter.add.f32 [tilespmem:s10], [sflag:$0x1], $0x1, s19, s9, $0xb8;
	[tilespmem:$0x58F0] =	vst v63  }
0x35: {  	_ = 	snop  }
0x36: {  	[spmem:s1] =	stream.indirect.scatter.add.f32 [tilespmem:s10], [sflag:$0x1], $0x1, s20, s9, $0xb8;
	[tilespmem:$0x58F0] =	vst v63  }
0x37: {  	_ = 	snop  }
0x38: {  	[spmem:s1] =	stream.indirect.scatter.add.f32 [tilespmem:s10], [sflag:$0x1], $0x1, s21, s9, $0xb8;
	[tilespmem:$0x58F0] =	vst v63  }
0x39: {  	_ = 	snop  }
0x3a: {  	[spmem:s1] =	stream.indirect.scatter.add.f32 [tilespmem:s10], [sflag:$0x1], $0x1, s22, s9, $0xb8;
	[tilespmem:$0x58F0] =	vst v63  }
0x3b: {  	_ = 	snop  }
0x3c: {  	[spmem:s1] =	stream.indirect.scatter.add.f32 [tilespmem:s10], [sflag:$0x1], $0x1, s23, s9, $0xb8;
	[tilespmem:$0x58F0] =	vst v63  }
0x3d: {  	_ = 	snop  }
0x3e: {  	[spmem:s1] =	stream.indirect.scatter.add.f32 [tilespmem:s10], [sflag:$0x1], $0x1, s24, s9, $0xb8;
	[tilespmem:$0x58F0] =	vst v63  }
0x3f: {  	_ = 	snop  }
0x40: {  	[spmem:s1] =	stream.indirect.scatter.add.f32 [tilespmem:s10], [sflag:$0x1], $0x1, s25, s9, $0xb8;
	[tilespmem:$0x58F0] =	vst v63  }
0x41: {  	_ =	swait.ge [sflag:s26], $0x7D  }
0x42: {  	[sflag:s26] =	ssyncset.done $0x0  }
0x43: {  	s30 =	simm.s32 $0x800;
	s29 =	simm.s32 $0x2200;
	[sflag:s26] =	ssyncadd.s32 $0xFFFFFF83  }
.LBB2_2:
0x44: {  	[spmem:s1] =	stream.indirect.scatter.add.f32 [tilespmem:s10], [sflag:$0x1], $0x1, s30, s9, $0xb8;
	[tilespmem:$0x58F0] =	vst v63  }
0x45: {  	s30 =	smov.u32 s29;
	p1 =	sne.s32 s29, $0xF800  }
.Ltmp0:
0x46: {  	s29 =	sadd.s32 $0x200, s29;
	(pc) =	sbr.rel @p1 .LBB2_2-.Ltmp0, $4  }
0x47: {  	_ = 	snop  }
0x48: {  	_ =	swait.ge [sflag:s26], $0x7D  }
0x49: {  	[sflag:s26] =	ssyncset.done $0x0  }
0x4a: {  	s30 =	sshra.s32 s30, $0x2;
	[sflag:s26] =	ssyncadd.s32 $0xFFFFFF83  }
0x4b: {  	[spmem:s1] =	stream.indirect.scatter.add.f32 [tilespmem:s10], [sflag:$0x1], $0x1, s30, s9, $0xb8;
	[tilespmem:$0x58F0] =	vst v63  }
0x4c: {  	_ =	swait.ge [sflag:s26], $0x7D  }
0x4d: {  	[sflag:s26] =	ssyncset.done $0x0  }
0x4e: {  	[sflag:s26] =	ssyncadd.s32 $0xFFFFFF83  }
0x4f: {  	_ =	swait.ge [sflag:s26], $0x7D  }
0x50: {  	[sflag:s26] =	ssyncset.done $0x0  }
0x51: {  	[sflag:s26] =	ssyncadd.s32 $0xFFFFFF83  }
0x52: {  	_ =	swait.ge [sflag:s26], $0x7D  }
0x53: {  	[sflag:s26] =	ssyncset.done $0x0  }
0x54: {  	[sflag:s26] =	ssyncadd.s32 $0xFFFFFF83  }
0x55: {  	_ =	swait.ge [sflag:s26], $0x7D  }
0x56: {  	[sflag:s26] =	ssyncset.done $0x0  }
0x57: {  	[sflag:s26] =	ssyncadd.s32 $0xFFFFFF83  }
0x58: {  	_ =	swait.ge [sflag:s26], $0x7D  }
0x59: {  	[sflag:s26] =	ssyncset.done $0x0  }
0x5a: {  	[sflag:s26] =	ssyncadd.s32 $0xFFFFFF83  }
0x5b: {  	_ =	swait.ge [sflag:s26], $0x7D  }
0x5c: {  	[sflag:s26] =	ssyncset.done $0x0  }
0x5d: {  	[sflag:s26] =	ssyncadd.s32 $0xFFFFFF83  }
0x5e: {  	_ =	swait.ge [sflag:s26], $0x7D  }
0x5f: {  	[sflag:s26] =	ssyncset.done $0x0  }
0x60: {  	[sflag:s26] =	ssyncadd.s32 $0xFFFFFF83  }
0x61: {  	_ =	swait.ge [sflag:s26], $0x7D  }
0x62: {  	[sflag:s26] =	ssyncset.done $0x0  }
0x63: {  	[sflag:s26] =	ssyncadd.s32 $0xFFFFFF83  }
0x64: {  	_ =	swait.ge [sflag:s26], $0x7D  }
0x65: {  	[sflag:s26] =	ssyncset.done $0x0  }
0x66: {  	[sflag:s26] =	ssyncadd.s32 $0xFFFFFF83  }
0x67: {  	_ =	swait.ge [sflag:s26], $0x7D  }
0x68: {  	[sflag:s26] =	ssyncset.done $0x0  }
0x69: {  	[sflag:s26] =	ssyncadd.s32 $0xFFFFFF83  }
0x6a: {  	_ =	swait.ge [sflag:s26], $0x7D  }
0x6b: {  	[sflag:s26] =	ssyncset.done $0x0  }
0x6c: {  	[sflag:s26] =	ssyncadd.s32 $0xFFFFFF83  }
0x6d: {  	_ =	swait.ge [sflag:s26], $0x7D  }
0x6e: {  	[sflag:s26] =	ssyncset.done $0x0  }
0x6f: {  	[sflag:s26] =	ssyncadd.s32 $0xFFFFFF83  }
0x70: {  	_ =	swait.ge [sflag:s26], $0x7D  }
0x71: {  	[sflag:s26] =	ssyncset.done $0x0  }
0x72: {  	[sflag:s26] =	ssyncadd.s32 $0xFFFFFF83  }
0x73: {  	_ =	swait.ge [sflag:s26], $0x7D  }
0x74: {  	[sflag:s26] =	ssyncset.done $0x0  }
0x75: {  	[sflag:s26] =	ssyncadd.s32 $0xFFFFFF83  }
0x76: {  	_ =	swait.ge [sflag:s26], $0x7D  }
0x77: {  	[sflag:s26] =	ssyncset.done $0x0  }
0x78: {  	[sflag:s26] =	ssyncadd.s32 $0xFFFFFF83  }
0x79: {  	_ =	swait.ge [sflag:s26], $0x7D  }
0x7a: {  	s29 =	simm.s32 @!p0 $0x1;
	s30 =	simm.s32 @!p0 $0x20;
	[sflag:s26] =	ssyncset.done $0x0  }
0x7b: {  	s31 =	simm.s32 @!p0 $0x10;
	s28 =	sadd.s32 $0x1, s28;
	[sflag:s26] =	ssyncadd.s32 $0xFFFFFF83  }
0x7c: {  	s0 =	simm.s32 @!p0 $0x1C02;
	p1 =	sne.s32 s28, s6;
	[bflag:$0x0] =	sbarrier.arrive $0xFFFF  }
0x7d: {  	[hbm:s5@s30], [sflag:s0] =	dma.strided @!p0 [spmem:s8@s31], $0x30E0, s29, $0x10   }
.Ltmp1:
0x7e: {  	_ = 	snop;
	(pc) =	sbr.rel @p1 .LBB2_1-.Ltmp1, $4  }
0x7f: {  	s0 =	simm.s32 @!p0 $0x2  }
0x80: {  	_ =	swait.ge @!p0 [sflag:s0], $0x30E0  }
0x81: {  	[sflag:s0] =	ssyncset.done @!p0 $0x0  }
0x82: {  	[sflag:s0] =	ssyncadd.s32 @!p0 $0xFFFFCF20  }
0x83: {  	_ =	sfence.sel $0x180000  }
0x84: {  	[bflag:$0x0] =	sbarrier.arrive $0xFFFF  }
0x85: {  	_ =	strace $0x90000047  }
0x86: {  	[bflag:$0x2] =	sbarrier.arrive $0xFFFF  }
0x87: {  	s0 =	rddreg [dreg:$0x2]  }
0x88: {  	s0 =	sadd.s32 @!p0 $0x100000, s0  }
0x89: {  	[sflag:s0] =	ssyncadd.tile.s32 @!p0 $0x1;
	_ =	shalt  }
.Lfunc_end2:
_tile_overlayer_lowered:
.L_overlay_start_2:
0x8a: {  	(tag) =	ssettag $0x2  }
0x8b: {  	s0 =	rddreg [dreg:$0x0];
	s2 =	stileid.u32  }
0x8c: {  	s1 =	rddreg [dreg:$0x1];
	p0 =	sne.s32 s2, $0x0  }
0x8d: {  	s3 =	rddreg [dreg:$0x2];
	[bflag:$0x3] =	sbarrier.arrive $0xFFFF;
	s2 =	simm.s32 @!p0 $0x1C02  }
0x8e: {  	[timem:s3], [sflag:s2] =	dma.local @!p0 [hbm:s0], s1  }
0x8f: {  	s0 =	simm.s32 @!p0 $0x2  }
0x90: {  	_ =	swait.ge @!p0 [sflag:s0], s1  }
0x91: {  	s1 =	ssub.s32 @!p0 $0x0, s1;
	[sflag:s0] =	ssyncset.done @!p0 $0x0  }
0x92: {  	[sflag:s0] =	ssyncadd.s32 @!p0 s1  }
0x93: {  	[bflag:$0x3] =	sbarrier.arrive $0xFFFF  }
0x94: {  	_ =	shalt  }

</sc_bundles>
